<compile_context>
chip_gen: v7x
topology: tpu7x:2x2x1
jax: 0.10.2.dev20260603
libtpu: 0.0.44.dev20260713+nightly
codegen_flags: <defaults>
</compile_context>

<pallas_src>
import functools

import jax
import jax.numpy as jnp
from jax import lax
from jax.experimental import pallas as pl
from jax.experimental.pallas import tpu as pltpu
from jax.experimental.pallas import tpu_sc as plsc

_NC = 2
_NS = 16
_NW = _NC * _NS
_CH = 128
_K = 8


@functools.partial(jax.jit, static_argnums=(2, 3, 4))
def _sc_embedding_lookup(idx, table, n_rows, per_w, n_ch):
    d = table.shape[1]
    n_mc = n_ch // _K
    mc = _K * _CH
    mesh = plsc.VectorSubcoreMesh(core_axis_name="c", subcore_axis_name="s")
    n_pair = n_mc // 2

    @functools.partial(
        pl.kernel,
        out_type=jax.ShapeDtypeStruct((n_rows, d), table.dtype),
        mesh=mesh,
        compiler_params=pltpu.CompilerParams(use_tc_tiling_on_sc=False),
        scratch_types=[
            pltpu.VMEM((n_ch, _CH), jnp.int32),
            pltpu.VMEM((2, mc, d), table.dtype),
            pltpu.SemaphoreType.DMA,
            pltpu.SemaphoreType.DMA,
            pltpu.SemaphoreType.DMA,
            pltpu.SemaphoreType.DMA,
        ],
    )
    def emb(idx_hbm, table_hbm, out_hbm, idx_v, rows_v, g0, g1, s0, s1):
        wid = lax.axis_index("s") * _NC + lax.axis_index("c")
        base = wid * per_w
        gsems = (g0, g1)
        ssems = (s0, s1)
        pltpu.sync_copy(idx_hbm.at[wid], idx_v)

        def fire(m, slot):
            for b in range(_K):
                pltpu.async_copy(
                    table_hbm.at[idx_v.at[m * _K + b]],
                    rows_v.at[slot].at[pl.ds(b * _CH, _CH)],
                    gsems[slot],
                )

        def drain(m, slot):
            for b in range(_K):
                pltpu.make_async_copy(
                    table_hbm.at[idx_v.at[m * _K + b]],
                    rows_v.at[slot].at[pl.ds(b * _CH, _CH)],
                    gsems[slot],
                ).wait()

        def store(m, slot):
            pltpu.async_copy(
                rows_v.at[slot], out_hbm.at[pl.ds(base + m * mc, mc)],
                ssems[slot],
            )

        def wait_store(m, slot):
            pltpu.make_async_copy(
                rows_v.at[slot], out_hbm.at[pl.ds(base + m * mc, mc)],
                ssems[slot],
            ).wait()

        fire(0, 0)

        @pl.loop(0, n_pair)
        def _(p):
            m0 = 2 * p
            @pl.when(p >= 1)
            def _():
                wait_store(m0 - 1, 1)

            fire(m0 + 1, 1)
            drain(m0, 0)
            store(m0, 0)
            wait_store(m0, 0)

            @pl.when(m0 + 2 < n_mc)
            def _():
                fire(m0 + 2, 0)

            drain(m0 + 1, 1)
            store(m0 + 1, 1)

        if n_mc % 2:
            mt = n_mc - 1
            wait_store(mt - 1, 1)
            drain(mt, 0)
            store(mt, 0)
            wait_store(mt, 0)
        else:
            wait_store(n_mc - 1, 1)

    return emb(idx, table)


def kernel(inputs, table):
    b, f = inputs.shape
    v, d = table.shape
    n = b * f
    per_w = n // _NW
    n_ch = per_w // _CH
    idx = inputs.reshape(_NW, n_ch, _CH).astype(jnp.int32)
    out = _sc_embedding_lookup(idx, table, n, per_w, n_ch)
    return out.reshape(b, f, d)

# --- scband reference (transcript-rebuilt; emitter-appended) ---
"""Pipeline reference for scband-sparse-to-embedding-53807350284845 (READ-ONLY COPY).

The authoritative reference and input builder live on the scoring server;
editing this copy changes nothing except your own understanding.
"""

import jax, jax.numpy as jnp
import numpy as np

VOCAB = 1000000
EMBED_DIM = 32
BATCH = 16384
FIELDS = 26

def setup_inputs(seed: int = 0) -> dict:
    key = jax.random.key(seed)
    k_idx, k_tab = jax.random.split(key)
    inputs = jax.random.randint(k_idx, (BATCH, FIELDS), 0, VOCAB, dtype=jnp.int64)
    # Learned embedding table sized per vocab / embed_dim (WordEmbedding weight)
    table = jax.random.normal(k_tab, (VOCAB, EMBED_DIM), dtype=jnp.float32) * 0.02
    return {"inputs": inputs, "table": table}

def reference(inputs, table):
    # SparseToEmbedding.forward: embedding lookup (dropout p=0 is identity in eval)
    out = jnp.take(table, inputs, axis=0)
    return out

if __name__ == "__main__":
    import jax
    _d = setup_inputs()
    print(jax.jit(kernel)(*tuple(_d.values())))

</pallas_src>

<mosaic_0001>
#map = affine_map<(d0, d1) -> (0, 0, 0)>
#map1 = affine_map<(d0, d1) -> (0, 0)>
module attributes {stable_mosaic.version = 14 : i64} {
  func.func @emb(%arg0: i32, %arg1: i32, %arg2: memref<32x104x128xi32, #tpu.memory_space<hbm>>, %arg3: memref<1000000x32xf32, #tpu.memory_space<hbm>>, %arg4: memref<425984x32xf32, #tpu.memory_space<hbm>>, %arg5: memref<104x128xi32, #tpu.memory_space<vmem>>, %arg6: memref<2x1024x32xf32, #tpu.memory_space<vmem>>, %arg7: memref<!tpu.dma_semaphore, #tpu.memory_space<semaphore_mem>>, %arg8: memref<!tpu.dma_semaphore, #tpu.memory_space<semaphore_mem>>, %arg9: memref<!tpu.dma_semaphore, #tpu.memory_space<semaphore_mem>>, %arg10: memref<!tpu.dma_semaphore, #tpu.memory_space<semaphore_mem>>) attributes {dimension_semantics = [#tpu.dimension_semantics<core_parallel>, #tpu.dimension_semantics<subcore_parallel>], iteration_bounds = array<i64: 2, 16>, scalar_prefetch = 0 : i64, scratch_operands = 6 : i64, tpu.core_type = #tpu.core_type<sc_vector_subcore>, window_params = [{transform_indices = #map}, {transform_indices = #map1}, {transform_indices = #map1}]} {
    %mul3A = arith.constant 2 : i32
    %mul3A_0 = arith.muli %arg1, %mul3A : i32
    %add3A = arith.addi %mul3A_0, %arg0 : i32
    %mul3A_1 = arith.constant 13312 : i32
    %mul3A_2 = arith.muli %add3A, %mul3A_1 : i32
    "tpu.region"() ({
      %run_scoped3A = tpu.sem_alloc : memref<!tpu.dma_semaphore, #tpu.memory_space<semaphore_mem>>
      %dma_start3A_290 = arith.constant 0 : i32
      %dma_start3A_291 = arith.constant 0 : i32
      %dma_start3A_292 = tpu.memref_slice %arg2[%add3A, %dma_start3A_290, %dma_start3A_291] : memref<32x104x128xi32, #tpu.memory_space<hbm>> -> memref<1x104x128xi32, #tpu.memory_space<hbm>>
      %dma_start3A_293 = tpu.memref_squeeze %dma_start3A_292 : memref<1x104x128xi32, #tpu.memory_space<hbm>> -> memref<104x128xi32, #tpu.memory_space<hbm>>
      %dma_start3A_294 = arith.constant 0 : i32
      %dma_start3A_295 = arith.constant 0 : i32
      %dma_start3A_296 = tpu.memref_slice %arg2[%add3A, %dma_start3A_294, %dma_start3A_295] : memref<32x104x128xi32, #tpu.memory_space<hbm>> -> memref<1x104x128xi32, #tpu.memory_space<hbm>>
      %dma_start3A_297 = tpu.memref_squeeze %dma_start3A_296 : memref<1x104x128xi32, #tpu.memory_space<hbm>> -> memref<104x128xi32, #tpu.memory_space<hbm>>
      tpu.enqueue_dma source(%dma_start3A_297 : memref<104x128xi32, #tpu.memory_space<hbm>>) target(%arg5 : memref<104x128xi32, #tpu.memory_space<vmem>>) target_semaphore(%run_scoped3A : memref<!tpu.dma_semaphore, #tpu.memory_space<semaphore_mem>>)
      %dma_wait3A_298 = arith.constant 0 : i32
      %dma_wait3A_299 = arith.constant 0 : i32
      %dma_wait3A_300 = tpu.memref_slice %arg2[%add3A, %dma_wait3A_298, %dma_wait3A_299] : memref<32x104x128xi32, #tpu.memory_space<hbm>> -> memref<1x104x128xi32, #tpu.memory_space<hbm>>
      %dma_wait3A_301 = tpu.memref_squeeze %dma_wait3A_300 : memref<1x104x128xi32, #tpu.memory_space<hbm>> -> memref<104x128xi32, #tpu.memory_space<hbm>>
      %dma_wait3A_302 = arith.constant 0 : i32
      %dma_wait3A_303 = arith.constant 0 : i32
      %dma_wait3A_304 = tpu.memref_slice %arg2[%add3A, %dma_wait3A_302, %dma_wait3A_303] : memref<32x104x128xi32, #tpu.memory_space<hbm>> -> memref<1x104x128xi32, #tpu.memory_space<hbm>>
      %dma_wait3A_305 = tpu.memref_squeeze %dma_wait3A_304 : memref<1x104x128xi32, #tpu.memory_space<hbm>> -> memref<104x128xi32, #tpu.memory_space<hbm>>
      tpu.wait_dma2 semaphore(%run_scoped3A : memref<!tpu.dma_semaphore, #tpu.memory_space<semaphore_mem>>) src(%dma_wait3A_305 : memref<104x128xi32, #tpu.memory_space<hbm>>) dst(%arg5 : memref<104x128xi32, #tpu.memory_space<vmem>>)
      tpu.yield
    }) : () -> ()
    %dma_start3A = arith.constant 0 : i32
    %dma_start3A_3 = arith.constant 0 : i32
    %dma_start3A_4 = arith.constant 0 : i32
    %dma_start3A_5 = arith.constant 0 : i32
    %dma_start3A_6 = tpu.memref_slice %arg6[%dma_start3A_3, %dma_start3A_4, %dma_start3A_5] : memref<2x1024x32xf32, #tpu.memory_space<vmem>> -> memref<1x1024x32xf32, #tpu.memory_space<vmem>>
    %dma_start3A_7 = tpu.memref_squeeze %dma_start3A_6 : memref<1x1024x32xf32, #tpu.memory_space<vmem>> -> memref<1024x32xf32, #tpu.memory_space<vmem>>
    %dma_start3A_8 = arith.constant 0 : i32
    %dma_start3A_9 = arith.constant 0 : i32
    %dma_start3A_10 = tpu.memref_slice %dma_start3A_7[%dma_start3A_8, %dma_start3A_9] : memref<1024x32xf32, #tpu.memory_space<vmem>> -> memref<128x32xf32, #tpu.memory_space<vmem>>
    %dma_start3A_11 = arith.constant 0 : i32
    %dma_start3A_12 = tpu.memref_slice %arg5[%dma_start3A, %dma_start3A_11] : memref<104x128xi32, #tpu.memory_space<vmem>> -> memref<1x128xi32, #tpu.memory_space<vmem>>
    %dma_start3A_13 = tpu.memref_squeeze %dma_start3A_12 : memref<1x128xi32, #tpu.memory_space<vmem>> -> memref<128xi32, #tpu.memory_space<vmem>>
    %dma_start3A_14 = arith.constant 0 : i32
    %dma_start3A_15 = arith.constant 0 : i32
    %dma_start3A_16 = tpu.memref_slice %arg3[%dma_start3A_14, %dma_start3A_15] : memref<1000000x32xf32, #tpu.memory_space<hbm>> -> memref<1000000x32xf32, #tpu.memory_space<hbm>>
    tpu.enqueue_indirect_dma source(%dma_start3A_16 : memref<1000000x32xf32, #tpu.memory_space<hbm>>) target(%dma_start3A_10 : memref<128x32xf32, #tpu.memory_space<vmem>>) offsets(%dma_start3A_13 : memref<128xi32, #tpu.memory_space<vmem>>) semaphore(%arg7 : memref<!tpu.dma_semaphore, #tpu.memory_space<semaphore_mem>>)
    %dma_start3A_17 = arith.constant 1 : i32
    %dma_start3A_18 = arith.constant 0 : i32
    %dma_start3A_19 = arith.constant 0 : i32
    %dma_start3A_20 = arith.constant 0 : i32
    %dma_start3A_21 = tpu.memref_slice %arg6[%dma_start3A_18, %dma_start3A_19, %dma_start3A_20] : memref<2x1024x32xf32, #tpu.memory_space<vmem>> -> memref<1x1024x32xf32, #tpu.memory_space<vmem>>
    %dma_start3A_22 = tpu.memref_squeeze %dma_start3A_21 : memref<1x1024x32xf32, #tpu.memory_space<vmem>> -> memref<1024x32xf32, #tpu.memory_space<vmem>>
    %dma_start3A_23 = arith.constant 128 : i32
    %dma_start3A_24 = arith.constant 0 : i32
    %dma_start3A_25 = tpu.memref_slice %dma_start3A_22[%dma_start3A_23, %dma_start3A_24] : memref<1024x32xf32, #tpu.memory_space<vmem>> -> memref<128x32xf32, #tpu.memory_space<vmem>>
    %dma_start3A_26 = arith.constant 0 : i32
    %dma_start3A_27 = tpu.memref_slice %arg5[%dma_start3A_17, %dma_start3A_26] : memref<104x128xi32, #tpu.memory_space<vmem>> -> memref<1x128xi32, #tpu.memory_space<vmem>>
    %dma_start3A_28 = tpu.memref_squeeze %dma_start3A_27 : memref<1x128xi32, #tpu.memory_space<vmem>> -> memref<128xi32, #tpu.memory_space<vmem>>
    %dma_start3A_29 = arith.constant 0 : i32
    %dma_start3A_30 = arith.constant 0 : i32
    %dma_start3A_31 = tpu.memref_slice %arg3[%dma_start3A_29, %dma_start3A_30] : memref<1000000x32xf32, #tpu.memory_space<hbm>> -> memref<1000000x32xf32, #tpu.memory_space<hbm>>
    tpu.enqueue_indirect_dma source(%dma_start3A_31 : memref<1000000x32xf32, #tpu.memory_space<hbm>>) target(%dma_start3A_25 : memref<128x32xf32, #tpu.memory_space<vmem>>) offsets(%dma_start3A_28 : memref<128xi32, #tpu.memory_space<vmem>>) semaphore(%arg7 : memref<!tpu.dma_semaphore, #tpu.memory_space<semaphore_mem>>)
    %dma_start3A_32 = arith.constant 2 : i32
    %dma_start3A_33 = arith.constant 0 : i32
    %dma_start3A_34 = arith.constant 0 : i32
    %dma_start3A_35 = arith.constant 0 : i32
    %dma_start3A_36 = tpu.memref_slice %arg6[%dma_start3A_33, %dma_start3A_34, %dma_start3A_35] : memref<2x1024x32xf32, #tpu.memory_space<vmem>> -> memref<1x1024x32xf32, #tpu.memory_space<vmem>>
    %dma_start3A_37 = tpu.memref_squeeze %dma_start3A_36 : memref<1x1024x32xf32, #tpu.memory_space<vmem>> -> memref<1024x32xf32, #tpu.memory_space<vmem>>
    %dma_start3A_38 = arith.constant 256 : i32
    %dma_start3A_39 = arith.constant 0 : i32
    %dma_start3A_40 = tpu.memref_slice %dma_start3A_37[%dma_start3A_38, %dma_start3A_39] : memref<1024x32xf32, #tpu.memory_space<vmem>> -> memref<128x32xf32, #tpu.memory_space<vmem>>
    %dma_start3A_41 = arith.constant 0 : i32
    %dma_start3A_42 = tpu.memref_slice %arg5[%dma_start3A_32, %dma_start3A_41] : memref<104x128xi32, #tpu.memory_space<vmem>> -> memref<1x128xi32, #tpu.memory_space<vmem>>
    %dma_start3A_43 = tpu.memref_squeeze %dma_start3A_42 : memref<1x128xi32, #tpu.memory_space<vmem>> -> memref<128xi32, #tpu.memory_space<vmem>>
    %dma_start3A_44 = arith.constant 0 : i32
    %dma_start3A_45 = arith.constant 0 : i32
    %dma_start3A_46 = tpu.memref_slice %arg3[%dma_start3A_44, %dma_start3A_45] : memref<1000000x32xf32, #tpu.memory_space<hbm>> -> memref<1000000x32xf32, #tpu.memory_space<hbm>>
    tpu.enqueue_indirect_dma source(%dma_start3A_46 : memref<1000000x32xf32, #tpu.memory_space<hbm>>) target(%dma_start3A_40 : memref<128x32xf32, #tpu.memory_space<vmem>>) offsets(%dma_start3A_43 : memref<128xi32, #tpu.memory_space<vmem>>) semaphore(%arg7 : memref<!tpu.dma_semaphore, #tpu.memory_space<semaphore_mem>>)
    %dma_start3A_47 = arith.constant 3 : i32
    %dma_start3A_48 = arith.constant 0 : i32
    %dma_start3A_49 = arith.constant 0 : i32
    %dma_start3A_50 = arith.constant 0 : i32
    %dma_start3A_51 = tpu.memref_slice %arg6[%dma_start3A_48, %dma_start3A_49, %dma_start3A_50] : memref<2x1024x32xf32, #tpu.memory_space<vmem>> -> memref<1x1024x32xf32, #tpu.memory_space<vmem>>
    %dma_start3A_52 = tpu.memref_squeeze %dma_start3A_51 : memref<1x1024x32xf32, #tpu.memory_space<vmem>> -> memref<1024x32xf32, #tpu.memory_space<vmem>>
    %dma_start3A_53 = arith.constant 384 : i32
    %dma_start3A_54 = arith.constant 0 : i32
    %dma_start3A_55 = tpu.memref_slice %dma_start3A_52[%dma_start3A_53, %dma_start3A_54] : memref<1024x32xf32, #tpu.memory_space<vmem>> -> memref<128x32xf32, #tpu.memory_space<vmem>>
    %dma_start3A_56 = arith.constant 0 : i32
    %dma_start3A_57 = tpu.memref_slice %arg5[%dma_start3A_47, %dma_start3A_56] : memref<104x128xi32, #tpu.memory_space<vmem>> -> memref<1x128xi32, #tpu.memory_space<vmem>>
    %dma_start3A_58 = tpu.memref_squeeze %dma_start3A_57 : memref<1x128xi32, #tpu.memory_space<vmem>> -> memref<128xi32, #tpu.memory_space<vmem>>
    %dma_start3A_59 = arith.constant 0 : i32
    %dma_start3A_60 = arith.constant 0 : i32
    %dma_start3A_61 = tpu.memref_slice %arg3[%dma_start3A_59, %dma_start3A_60] : memref<1000000x32xf32, #tpu.memory_space<hbm>> -> memref<1000000x32xf32, #tpu.memory_space<hbm>>
    tpu.enqueue_indirect_dma source(%dma_start3A_61 : memref<1000000x32xf32, #tpu.memory_space<hbm>>) target(%dma_start3A_55 : memref<128x32xf32, #tpu.memory_space<vmem>>) offsets(%dma_start3A_58 : memref<128xi32, #tpu.memory_space<vmem>>) semaphore(%arg7 : memref<!tpu.dma_semaphore, #tpu.memory_space<semaphore_mem>>)
    %dma_start3A_62 = arith.constant 4 : i32
    %dma_start3A_63 = arith.constant 0 : i32
    %dma_start3A_64 = arith.constant 0 : i32
    %dma_start3A_65 = arith.constant 0 : i32
    %dma_start3A_66 = tpu.memref_slice %arg6[%dma_start3A_63, %dma_start3A_64, %dma_start3A_65] : memref<2x1024x32xf32, #tpu.memory_space<vmem>> -> memref<1x1024x32xf32, #tpu.memory_space<vmem>>
    %dma_start3A_67 = tpu.memref_squeeze %dma_start3A_66 : memref<1x1024x32xf32, #tpu.memory_space<vmem>> -> memref<1024x32xf32, #tpu.memory_space<vmem>>
    %dma_start3A_68 = arith.constant 512 : i32
    %dma_start3A_69 = arith.constant 0 : i32
    %dma_start3A_70 = tpu.memref_slice %dma_start3A_67[%dma_start3A_68, %dma_start3A_69] : memref<1024x32xf32, #tpu.memory_space<vmem>> -> memref<128x32xf32, #tpu.memory_space<vmem>>
    %dma_start3A_71 = arith.constant 0 : i32
    %dma_start3A_72 = tpu.memref_slice %arg5[%dma_start3A_62, %dma_start3A_71] : memref<104x128xi32, #tpu.memory_space<vmem>> -> memref<1x128xi32, #tpu.memory_space<vmem>>
    %dma_start3A_73 = tpu.memref_squeeze %dma_start3A_72 : memref<1x128xi32, #tpu.memory_space<vmem>> -> memref<128xi32, #tpu.memory_space<vmem>>
    %dma_start3A_74 = arith.constant 0 : i32
    %dma_start3A_75 = arith.constant 0 : i32
    %dma_start3A_76 = tpu.memref_slice %arg3[%dma_start3A_74, %dma_start3A_75] : memref<1000000x32xf32, #tpu.memory_space<hbm>> -> memref<1000000x32xf32, #tpu.memory_space<hbm>>
    tpu.enqueue_indirect_dma source(%dma_start3A_76 : memref<1000000x32xf32, #tpu.memory_space<hbm>>) target(%dma_start3A_70 : memref<128x32xf32, #tpu.memory_space<vmem>>) offsets(%dma_start3A_73 : memref<128xi32, #tpu.memory_space<vmem>>) semaphore(%arg7 : memref<!tpu.dma_semaphore, #tpu.memory_space<semaphore_mem>>)
    %dma_start3A_77 = arith.constant 5 : i32
    %dma_start3A_78 = arith.constant 0 : i32
    %dma_start3A_79 = arith.constant 0 : i32
    %dma_start3A_80 = arith.constant 0 : i32
    %dma_start3A_81 = tpu.memref_slice %arg6[%dma_start3A_78, %dma_start3A_79, %dma_start3A_80] : memref<2x1024x32xf32, #tpu.memory_space<vmem>> -> memref<1x1024x32xf32, #tpu.memory_space<vmem>>
    %dma_start3A_82 = tpu.memref_squeeze %dma_start3A_81 : memref<1x1024x32xf32, #tpu.memory_space<vmem>> -> memref<1024x32xf32, #tpu.memory_space<vmem>>
    %dma_start3A_83 = arith.constant 640 : i32
    %dma_start3A_84 = arith.constant 0 : i32
    %dma_start3A_85 = tpu.memref_slice %dma_start3A_82[%dma_start3A_83, %dma_start3A_84] : memref<1024x32xf32, #tpu.memory_space<vmem>> -> memref<128x32xf32, #tpu.memory_space<vmem>>
    %dma_start3A_86 = arith.constant 0 : i32
    %dma_start3A_87 = tpu.memref_slice %arg5[%dma_start3A_77, %dma_start3A_86] : memref<104x128xi32, #tpu.memory_space<vmem>> -> memref<1x128xi32, #tpu.memory_space<vmem>>
    %dma_start3A_88 = tpu.memref_squeeze %dma_start3A_87 : memref<1x128xi32, #tpu.memory_space<vmem>> -> memref<128xi32, #tpu.memory_space<vmem>>
    %dma_start3A_89 = arith.constant 0 : i32
    %dma_start3A_90 = arith.constant 0 : i32
    %dma_start3A_91 = tpu.memref_slice %arg3[%dma_start3A_89, %dma_start3A_90] : memref<1000000x32xf32, #tpu.memory_space<hbm>> -> memref<1000000x32xf32, #tpu.memory_space<hbm>>
    tpu.enqueue_indirect_dma source(%dma_start3A_91 : memref<1000000x32xf32, #tpu.memory_space<hbm>>) target(%dma_start3A_85 : memref<128x32xf32, #tpu.memory_space<vmem>>) offsets(%dma_start3A_88 : memref<128xi32, #tpu.memory_space<vmem>>) semaphore(%arg7 : memref<!tpu.dma_semaphore, #tpu.memory_space<semaphore_mem>>)
    %dma_start3A_92 = arith.constant 6 : i32
    %dma_start3A_93 = arith.constant 0 : i32
    %dma_start3A_94 = arith.constant 0 : i32
    %dma_start3A_95 = arith.constant 0 : i32
    %dma_start3A_96 = tpu.memref_slice %arg6[%dma_start3A_93, %dma_start3A_94, %dma_start3A_95] : memref<2x1024x32xf32, #tpu.memory_space<vmem>> -> memref<1x1024x32xf32, #tpu.memory_space<vmem>>
    %dma_start3A_97 = tpu.memref_squeeze %dma_start3A_96 : memref<1x1024x32xf32, #tpu.memory_space<vmem>> -> memref<1024x32xf32, #tpu.memory_space<vmem>>
    %dma_start3A_98 = arith.constant 768 : i32
    %dma_start3A_99 = arith.constant 0 : i32
    %dma_start3A_100 = tpu.memref_slice %dma_start3A_97[%dma_start3A_98, %dma_start3A_99] : memref<1024x32xf32, #tpu.memory_space<vmem>> -> memref<128x32xf32, #tpu.memory_space<vmem>>
    %dma_start3A_101 = arith.constant 0 : i32
    %dma_start3A_102 = tpu.memref_slice %arg5[%dma_start3A_92, %dma_start3A_101] : memref<104x128xi32, #tpu.memory_space<vmem>> -> memref<1x128xi32, #tpu.memory_space<vmem>>
    %dma_start3A_103 = tpu.memref_squeeze %dma_start3A_102 : memref<1x128xi32, #tpu.memory_space<vmem>> -> memref<128xi32, #tpu.memory_space<vmem>>
    %dma_start3A_104 = arith.constant 0 : i32
    %dma_start3A_105 = arith.constant 0 : i32
    %dma_start3A_106 = tpu.memref_slice %arg3[%dma_start3A_104, %dma_start3A_105] : memref<1000000x32xf32, #tpu.memory_space<hbm>> -> memref<1000000x32xf32, #tpu.memory_space<hbm>>
    tpu.enqueue_indirect_dma source(%dma_start3A_106 : memref<1000000x32xf32, #tpu.memory_space<hbm>>) target(%dma_start3A_100 : memref<128x32xf32, #tpu.memory_space<vmem>>) offsets(%dma_start3A_103 : memref<128xi32, #tpu.memory_space<vmem>>) semaphore(%arg7 : memref<!tpu.dma_semaphore, #tpu.memory_space<semaphore_mem>>)
    %dma_start3A_107 = arith.constant 7 : i32
    %dma_start3A_108 = arith.constant 0 : i32
    %dma_start3A_109 = arith.constant 0 : i32
    %dma_start3A_110 = arith.constant 0 : i32
    %dma_start3A_111 = tpu.memref_slice %arg6[%dma_start3A_108, %dma_start3A_109, %dma_start3A_110] : memref<2x1024x32xf32, #tpu.memory_space<vmem>> -> memref<1x1024x32xf32, #tpu.memory_space<vmem>>
    %dma_start3A_112 = tpu.memref_squeeze %dma_start3A_111 : memref<1x1024x32xf32, #tpu.memory_space<vmem>> -> memref<1024x32xf32, #tpu.memory_space<vmem>>
    %dma_start3A_113 = arith.constant 896 : i32
    %dma_start3A_114 = arith.constant 0 : i32
    %dma_start3A_115 = tpu.memref_slice %dma_start3A_112[%dma_start3A_113, %dma_start3A_114] : memref<1024x32xf32, #tpu.memory_space<vmem>> -> memref<128x32xf32, #tpu.memory_space<vmem>>
    %dma_start3A_116 = arith.constant 0 : i32
    %dma_start3A_117 = tpu.memref_slice %arg5[%dma_start3A_107, %dma_start3A_116] : memref<104x128xi32, #tpu.memory_space<vmem>> -> memref<1x128xi32, #tpu.memory_space<vmem>>
    %dma_start3A_118 = tpu.memref_squeeze %dma_start3A_117 : memref<1x128xi32, #tpu.memory_space<vmem>> -> memref<128xi32, #tpu.memory_space<vmem>>
    %dma_start3A_119 = arith.constant 0 : i32
    %dma_start3A_120 = arith.constant 0 : i32
    %dma_start3A_121 = tpu.memref_slice %arg3[%dma_start3A_119, %dma_start3A_120] : memref<1000000x32xf32, #tpu.memory_space<hbm>> -> memref<1000000x32xf32, #tpu.memory_space<hbm>>
    tpu.enqueue_indirect_dma source(%dma_start3A_121 : memref<1000000x32xf32, #tpu.memory_space<hbm>>) target(%dma_start3A_115 : memref<128x32xf32, #tpu.memory_space<vmem>>) offsets(%dma_start3A_118 : memref<128xi32, #tpu.memory_space<vmem>>) semaphore(%arg7 : memref<!tpu.dma_semaphore, #tpu.memory_space<semaphore_mem>>)
    %scan3A = arith.constant 0 : i32
    %scan3A_122 = arith.constant 6 : i32
    %scan3A_123 = arith.addi %scan3A, %scan3A_122 : i32
    %scan3A_124 = arith.constant 1 : i32
    scf.for %scan3A_290 = %scan3A to %scan3A_123 step %scan3A_124  : i32 {
      %mul3A_291 = arith.constant 1 : i32
      %mul3A_292 = arith.muli %scan3A_290, %mul3A_291 : i32
      %add3A_293 = arith.constant 0 : i32
      %add3A_294 = arith.addi %add3A_293, %mul3A_292 : i32
      %mul3A_295 = arith.constant 2 : i32
      %mul3A_296 = arith.muli %mul3A_295, %add3A_294 : i32
      %ge3A = arith.constant 1 : i32
      %ge3A_297 = arith.cmpi sge, %add3A_294, %ge3A : i32
      %convert_element_type3A = arith.extui %ge3A_297 : i1 to i32
      %cond3A = arith.constant 0 : i32
      %cond3A_298 = arith.cmpi ne, %convert_element_type3A, %cond3A : i32
      scf.if %cond3A_298 {
        %sub3A = arith.constant 1 : i32
        %sub3A_791 = arith.subi %mul3A_296, %sub3A : i32
        %mul3A_792 = arith.constant 1024 : i32
        %mul3A_793 = arith.muli %sub3A_791, %mul3A_792 : i32
        %add3A_794 = arith.addi %mul3A_2, %mul3A_793 : i32
        %dma_wait3A_795 = arith.constant 1 : i32
        %dma_wait3A_796 = arith.constant 0 : i32
        %dma_wait3A_797 = arith.constant 0 : i32
        %dma_wait3A_798 = tpu.memref_slice %arg6[%dma_wait3A_795, %dma_wait3A_796, %dma_wait3A_797] : memref<2x1024x32xf32, #tpu.memory_space<vmem>> -> memref<1x1024x32xf32, #tpu.memory_space<vmem>>
        %dma_wait3A_799 = tpu.memref_squeeze %dma_wait3A_798 : memref<1x1024x32xf32, #tpu.memory_space<vmem>> -> memref<1024x32xf32, #tpu.memory_space<vmem>>
        %dma_wait3A_800 = arith.constant 0 : i32
        %dma_wait3A_801 = tpu.memref_slice %arg4[%add3A_794, %dma_wait3A_800] : memref<425984x32xf32, #tpu.memory_space<hbm>> -> memref<1024x32xf32, #tpu.memory_space<hbm>>
        %dma_wait3A_802 = arith.constant 0 : i32
        %dma_wait3A_803 = tpu.memref_slice %arg4[%add3A_794, %dma_wait3A_802] : memref<425984x32xf32, #tpu.memory_space<hbm>> -> memref<1024x32xf32, #tpu.memory_space<hbm>>
        %dma_wait3A_804 = arith.constant 0 : i32
        %dma_wait3A_805 = arith.constant 0 : i32
        %dma_wait3A_806 = tpu.memref_slice %arg6[%dma_wait3A_795, %dma_wait3A_804, %dma_wait3A_805] : memref<2x1024x32xf32, #tpu.memory_space<vmem>> -> memref<1x1024x32xf32, #tpu.memory_space<vmem>>
        %dma_wait3A_807 = tpu.memref_squeeze %dma_wait3A_806 : memref<1x1024x32xf32, #tpu.memory_space<vmem>> -> memref<1024x32xf32, #tpu.memory_space<vmem>>
        tpu.wait_dma2 semaphore(%arg10 : memref<!tpu.dma_semaphore, #tpu.memory_space<semaphore_mem>>) src(%dma_wait3A_807 : memref<1024x32xf32, #tpu.memory_space<vmem>>) dst(%dma_wait3A_803 : memref<1024x32xf32, #tpu.memory_space<hbm>>)
      } else {
      }
      %add3A_299 = arith.constant 1 : i32
      %add3A_300 = arith.addi %mul3A_296, %add3A_299 : i32
      %mul3A_301 = arith.constant 8 : i32
      %mul3A_302 = arith.muli %add3A_300, %mul3A_301 : i32
      %add3A_303 = arith.constant 0 : i32
      %add3A_304 = arith.addi %mul3A_302, %add3A_303 : i32
      %dma_start3A_305 = arith.constant 1 : i32
      %dma_start3A_306 = arith.constant 0 : i32
      %dma_start3A_307 = arith.constant 0 : i32
      %dma_start3A_308 = tpu.memref_slice %arg6[%dma_start3A_305, %dma_start3A_306, %dma_start3A_307] : memref<2x1024x32xf32, #tpu.memory_space<vmem>> -> memref<1x1024x32xf32, #tpu.memory_space<vmem>>
      %dma_start3A_309 = tpu.memref_squeeze %dma_start3A_308 : memref<1x1024x32xf32, #tpu.memory_space<vmem>> -> memref<1024x32xf32, #tpu.memory_space<vmem>>
      %dma_start3A_310 = arith.constant 0 : i32
      %dma_start3A_311 = arith.constant 0 : i32
      %dma_start3A_312 = tpu.memref_slice %dma_start3A_309[%dma_start3A_310, %dma_start3A_311] : memref<1024x32xf32, #tpu.memory_space<vmem>> -> memref<128x32xf32, #tpu.memory_space<vmem>>
      %dma_start3A_313 = arith.constant 0 : i32
      %dma_start3A_314 = tpu.memref_slice %arg5[%add3A_304, %dma_start3A_313] : memref<104x128xi32, #tpu.memory_space<vmem>> -> memref<1x128xi32, #tpu.memory_space<vmem>>
      %dma_start3A_315 = tpu.memref_squeeze %dma_start3A_314 : memref<1x128xi32, #tpu.memory_space<vmem>> -> memref<128xi32, #tpu.memory_space<vmem>>
      %dma_start3A_316 = arith.constant 0 : i32
      %dma_start3A_317 = arith.constant 0 : i32
      %dma_start3A_318 = tpu.memref_slice %arg3[%dma_start3A_316, %dma_start3A_317] : memref<1000000x32xf32, #tpu.memory_space<hbm>> -> memref<1000000x32xf32, #tpu.memory_space<hbm>>
      tpu.enqueue_indirect_dma source(%dma_start3A_318 : memref<1000000x32xf32, #tpu.memory_space<hbm>>) target(%dma_start3A_312 : memref<128x32xf32, #tpu.memory_space<vmem>>) offsets(%dma_start3A_315 : memref<128xi32, #tpu.memory_space<vmem>>) semaphore(%arg8 : memref<!tpu.dma_semaphore, #tpu.memory_space<semaphore_mem>>)
      %mul3A_319 = arith.constant 8 : i32
      %mul3A_320 = arith.muli %add3A_300, %mul3A_319 : i32
      %add3A_321 = arith.constant 1 : i32
      %add3A_322 = arith.addi %mul3A_320, %add3A_321 : i32
      %dma_start3A_323 = arith.constant 1 : i32
      %dma_start3A_324 = arith.constant 0 : i32
      %dma_start3A_325 = arith.constant 0 : i32
      %dma_start3A_326 = tpu.memref_slice %arg6[%dma_start3A_323, %dma_start3A_324, %dma_start3A_325] : memref<2x1024x32xf32, #tpu.memory_space<vmem>> -> memref<1x1024x32xf32, #tpu.memory_space<vmem>>
      %dma_start3A_327 = tpu.memref_squeeze %dma_start3A_326 : memref<1x1024x32xf32, #tpu.memory_space<vmem>> -> memref<1024x32xf32, #tpu.memory_space<vmem>>
      %dma_start3A_328 = arith.constant 128 : i32
      %dma_start3A_329 = arith.constant 0 : i32
      %dma_start3A_330 = tpu.memref_slice %dma_start3A_327[%dma_start3A_328, %dma_start3A_329] : memref<1024x32xf32, #tpu.memory_space<vmem>> -> memref<128x32xf32, #tpu.memory_space<vmem>>
      %dma_start3A_331 = arith.constant 0 : i32
      %dma_start3A_332 = tpu.memref_slice %arg5[%add3A_322, %dma_start3A_331] : memref<104x128xi32, #tpu.memory_space<vmem>> -> memref<1x128xi32, #tpu.memory_space<vmem>>
      %dma_start3A_333 = tpu.memref_squeeze %dma_start3A_332 : memref<1x128xi32, #tpu.memory_space<vmem>> -> memref<128xi32, #tpu.memory_space<vmem>>
      %dma_start3A_334 = arith.constant 0 : i32
      %dma_start3A_335 = arith.constant 0 : i32
      %dma_start3A_336 = tpu.memref_slice %arg3[%dma_start3A_334, %dma_start3A_335] : memref<1000000x32xf32, #tpu.memory_space<hbm>> -> memref<1000000x32xf32, #tpu.memory_space<hbm>>
      tpu.enqueue_indirect_dma source(%dma_start3A_336 : memref<1000000x32xf32, #tpu.memory_space<hbm>>) target(%dma_start3A_330 : memref<128x32xf32, #tpu.memory_space<vmem>>) offsets(%dma_start3A_333 : memref<128xi32, #tpu.memory_space<vmem>>) semaphore(%arg8 : memref<!tpu.dma_semaphore, #tpu.memory_space<semaphore_mem>>)
      %mul3A_337 = arith.constant 8 : i32
      %mul3A_338 = arith.muli %add3A_300, %mul3A_337 : i32
      %add3A_339 = arith.constant 2 : i32
      %add3A_340 = arith.addi %mul3A_338, %add3A_339 : i32
      %dma_start3A_341 = arith.constant 1 : i32
      %dma_start3A_342 = arith.constant 0 : i32
      %dma_start3A_343 = arith.constant 0 : i32
      %dma_start3A_344 = tpu.memref_slice %arg6[%dma_start3A_341, %dma_start3A_342, %dma_start3A_343] : memref<2x1024x32xf32, #tpu.memory_space<vmem>> -> memref<1x1024x32xf32, #tpu.memory_space<vmem>>
      %dma_start3A_345 = tpu.memref_squeeze %dma_start3A_344 : memref<1x1024x32xf32, #tpu.memory_space<vmem>> -> memref<1024x32xf32, #tpu.memory_space<vmem>>
      %dma_start3A_346 = arith.constant 256 : i32
      %dma_start3A_347 = arith.constant 0 : i32
      %dma_start3A_348 = tpu.memref_slice %dma_start3A_345[%dma_start3A_346, %dma_start3A_347] : memref<1024x32xf32, #tpu.memory_space<vmem>> -> memref<128x32xf32, #tpu.memory_space<vmem>>
      %dma_start3A_349 = arith.constant 0 : i32
      %dma_start3A_350 = tpu.memref_slice %arg5[%add3A_340, %dma_start3A_349] : memref<104x128xi32, #tpu.memory_space<vmem>> -> memref<1x128xi32, #tpu.memory_space<vmem>>
      %dma_start3A_351 = tpu.memref_squeeze %dma_start3A_350 : memref<1x128xi32, #tpu.memory_space<vmem>> -> memref<128xi32, #tpu.memory_space<vmem>>
      %dma_start3A_352 = arith.constant 0 : i32
      %dma_start3A_353 = arith.constant 0 : i32
      %dma_start3A_354 = tpu.memref_slice %arg3[%dma_start3A_352, %dma_start3A_353] : memref<1000000x32xf32, #tpu.memory_space<hbm>> -> memref<1000000x32xf32, #tpu.memory_space<hbm>>
      tpu.enqueue_indirect_dma source(%dma_start3A_354 : memref<1000000x32xf32, #tpu.memory_space<hbm>>) target(%dma_start3A_348 : memref<128x32xf32, #tpu.memory_space<vmem>>) offsets(%dma_start3A_351 : memref<128xi32, #tpu.memory_space<vmem>>) semaphore(%arg8 : memref<!tpu.dma_semaphore, #tpu.memory_space<semaphore_mem>>)
      %mul3A_355 = arith.constant 8 : i32
      %mul3A_356 = arith.muli %add3A_300, %mul3A_355 : i32
      %add3A_357 = arith.constant 3 : i32
      %add3A_358 = arith.addi %mul3A_356, %add3A_357 : i32
      %dma_start3A_359 = arith.constant 1 : i32
      %dma_start3A_360 = arith.constant 0 : i32
      %dma_start3A_361 = arith.constant 0 : i32
      %dma_start3A_362 = tpu.memref_slice %arg6[%dma_start3A_359, %dma_start3A_360, %dma_start3A_361] : memref<2x1024x32xf32, #tpu.memory_space<vmem>> -> memref<1x1024x32xf32, #tpu.memory_space<vmem>>
      %dma_start3A_363 = tpu.memref_squeeze %dma_start3A_362 : memref<1x1024x32xf32, #tpu.memory_space<vmem>> -> memref<1024x32xf32, #tpu.memory_space<vmem>>
      %dma_start3A_364 = arith.constant 384 : i32
      %dma_start3A_365 = arith.constant 0 : i32
      %dma_start3A_366 = tpu.memref_slice %dma_start3A_363[%dma_start3A_364, %dma_start3A_365] : memref<1024x32xf32, #tpu.memory_space<vmem>> -> memref<128x32xf32, #tpu.memory_space<vmem>>
      %dma_start3A_367 = arith.constant 0 : i32
      %dma_start3A_368 = tpu.memref_slice %arg5[%add3A_358, %dma_start3A_367] : memref<104x128xi32, #tpu.memory_space<vmem>> -> memref<1x128xi32, #tpu.memory_space<vmem>>
      %dma_start3A_369 = tpu.memref_squeeze %dma_start3A_368 : memref<1x128xi32, #tpu.memory_space<vmem>> -> memref<128xi32, #tpu.memory_space<vmem>>
      %dma_start3A_370 = arith.constant 0 : i32
      %dma_start3A_371 = arith.constant 0 : i32
      %dma_start3A_372 = tpu.memref_slice %arg3[%dma_start3A_370, %dma_start3A_371] : memref<1000000x32xf32, #tpu.memory_space<hbm>> -> memref<1000000x32xf32, #tpu.memory_space<hbm>>
      tpu.enqueue_indirect_dma source(%dma_start3A_372 : memref<1000000x32xf32, #tpu.memory_space<hbm>>) target(%dma_start3A_366 : memref<128x32xf32, #tpu.memory_space<vmem>>) offsets(%dma_start3A_369 : memref<128xi32, #tpu.memory_space<vmem>>) semaphore(%arg8 : memref<!tpu.dma_semaphore, #tpu.memory_space<semaphore_mem>>)
      %mul3A_373 = arith.constant 8 : i32
      %mul3A_374 = arith.muli %add3A_300, %mul3A_373 : i32
      %add3A_375 = arith.constant 4 : i32
      %add3A_376 = arith.addi %mul3A_374, %add3A_375 : i32
      %dma_start3A_377 = arith.constant 1 : i32
      %dma_start3A_378 = arith.constant 0 : i32
      %dma_start3A_379 = arith.constant 0 : i32
      %dma_start3A_380 = tpu.memref_slice %arg6[%dma_start3A_377, %dma_start3A_378, %dma_start3A_379] : memref<2x1024x32xf32, #tpu.memory_space<vmem>> -> memref<1x1024x32xf32, #tpu.memory_space<vmem>>
      %dma_start3A_381 = tpu.memref_squeeze %dma_start3A_380 : memref<1x1024x32xf32, #tpu.memory_space<vmem>> -> memref<1024x32xf32, #tpu.memory_space<vmem>>
      %dma_start3A_382 = arith.constant 512 : i32
      %dma_start3A_383 = arith.constant 0 : i32
      %dma_start3A_384 = tpu.memref_slice %dma_start3A_381[%dma_start3A_382, %dma_start3A_383] : memref<1024x32xf32, #tpu.memory_space<vmem>> -> memref<128x32xf32, #tpu.memory_space<vmem>>
      %dma_start3A_385 = arith.constant 0 : i32
      %dma_start3A_386 = tpu.memref_slice %arg5[%add3A_376, %dma_start3A_385] : memref<104x128xi32, #tpu.memory_space<vmem>> -> memref<1x128xi32, #tpu.memory_space<vmem>>
      %dma_start3A_387 = tpu.memref_squeeze %dma_start3A_386 : memref<1x128xi32, #tpu.memory_space<vmem>> -> memref<128xi32, #tpu.memory_space<vmem>>
      %dma_start3A_388 = arith.constant 0 : i32
      %dma_start3A_389 = arith.constant 0 : i32
      %dma_start3A_390 = tpu.memref_slice %arg3[%dma_start3A_388, %dma_start3A_389] : memref<1000000x32xf32, #tpu.memory_space<hbm>> -> memref<1000000x32xf32, #tpu.memory_space<hbm>>
      tpu.enqueue_indirect_dma source(%dma_start3A_390 : memref<1000000x32xf32, #tpu.memory_space<hbm>>) target(%dma_start3A_384 : memref<128x32xf32, #tpu.memory_space<vmem>>) offsets(%dma_start3A_387 : memref<128xi32, #tpu.memory_space<vmem>>) semaphore(%arg8 : memref<!tpu.dma_semaphore, #tpu.memory_space<semaphore_mem>>)
      %mul3A_391 = arith.constant 8 : i32
      %mul3A_392 = arith.muli %add3A_300, %mul3A_391 : i32
      %add3A_393 = arith.constant 5 : i32
      %add3A_394 = arith.addi %mul3A_392, %add3A_393 : i32
      %dma_start3A_395 = arith.constant 1 : i32
      %dma_start3A_396 = arith.constant 0 : i32
      %dma_start3A_397 = arith.constant 0 : i32
      %dma_start3A_398 = tpu.memref_slice %arg6[%dma_start3A_395, %dma_start3A_396, %dma_start3A_397] : memref<2x1024x32xf32, #tpu.memory_space<vmem>> -> memref<1x1024x32xf32, #tpu.memory_space<vmem>>
      %dma_start3A_399 = tpu.memref_squeeze %dma_start3A_398 : memref<1x1024x32xf32, #tpu.memory_space<vmem>> -> memref<1024x32xf32, #tpu.memory_space<vmem>>
      %dma_start3A_400 = arith.constant 640 : i32
      %dma_start3A_401 = arith.constant 0 : i32
      %dma_start3A_402 = tpu.memref_slice %dma_start3A_399[%dma_start3A_400, %dma_start3A_401] : memref<1024x32xf32, #tpu.memory_space<vmem>> -> memref<128x32xf32, #tpu.memory_space<vmem>>
      %dma_start3A_403 = arith.constant 0 : i32
      %dma_start3A_404 = tpu.memref_slice %arg5[%add3A_394, %dma_start3A_403] : memref<104x128xi32, #tpu.memory_space<vmem>> -> memref<1x128xi32, #tpu.memory_space<vmem>>
      %dma_start3A_405 = tpu.memref_squeeze %dma_start3A_404 : memref<1x128xi32, #tpu.memory_space<vmem>> -> memref<128xi32, #tpu.memory_space<vmem>>
      %dma_start3A_406 = arith.constant 0 : i32
      %dma_start3A_407 = arith.constant 0 : i32
      %dma_start3A_408 = tpu.memref_slice %arg3[%dma_start3A_406, %dma_start3A_407] : memref<1000000x32xf32, #tpu.memory_space<hbm>> -> memref<1000000x32xf32, #tpu.memory_space<hbm>>
      tpu.enqueue_indirect_dma source(%dma_start3A_408 : memref<1000000x32xf32, #tpu.memory_space<hbm>>) target(%dma_start3A_402 : memref<128x32xf32, #tpu.memory_space<vmem>>) offsets(%dma_start3A_405 : memref<128xi32, #tpu.memory_space<vmem>>) semaphore(%arg8 : memref<!tpu.dma_semaphore, #tpu.memory_space<semaphore_mem>>)
      %mul3A_409 = arith.constant 8 : i32
      %mul3A_410 = arith.muli %add3A_300, %mul3A_409 : i32
      %add3A_411 = arith.constant 6 : i32
      %add3A_412 = arith.addi %mul3A_410, %add3A_411 : i32
      %dma_start3A_413 = arith.constant 1 : i32
      %dma_start3A_414 = arith.constant 0 : i32
      %dma_start3A_415 = arith.constant 0 : i32
      %dma_start3A_416 = tpu.memref_slice %arg6[%dma_start3A_413, %dma_start3A_414, %dma_start3A_415] : memref<2x1024x32xf32, #tpu.memory_space<vmem>> -> memref<1x1024x32xf32, #tpu.memory_space<vmem>>
      %dma_start3A_417 = tpu.memref_squeeze %dma_start3A_416 : memref<1x1024x32xf32, #tpu.memory_space<vmem>> -> memref<1024x32xf32, #tpu.memory_space<vmem>>
      %dma_start3A_418 = arith.constant 768 : i32
      %dma_start3A_419 = arith.constant 0 : i32
      %dma_start3A_420 = tpu.memref_slice %dma_start3A_417[%dma_start3A_418, %dma_start3A_419] : memref<1024x32xf32, #tpu.memory_space<vmem>> -> memref<128x32xf32, #tpu.memory_space<vmem>>
      %dma_start3A_421 = arith.constant 0 : i32
      %dma_start3A_422 = tpu.memref_slice %arg5[%add3A_412, %dma_start3A_421] : memref<104x128xi32, #tpu.memory_space<vmem>> -> memref<1x128xi32, #tpu.memory_space<vmem>>
      %dma_start3A_423 = tpu.memref_squeeze %dma_start3A_422 : memref<1x128xi32, #tpu.memory_space<vmem>> -> memref<128xi32, #tpu.memory_space<vmem>>
      %dma_start3A_424 = arith.constant 0 : i32
      %dma_start3A_425 = arith.constant 0 : i32
      %dma_start3A_426 = tpu.memref_slice %arg3[%dma_start3A_424, %dma_start3A_425] : memref<1000000x32xf32, #tpu.memory_space<hbm>> -> memref<1000000x32xf32, #tpu.memory_space<hbm>>
      tpu.enqueue_indirect_dma source(%dma_start3A_426 : memref<1000000x32xf32, #tpu.memory_space<hbm>>) target(%dma_start3A_420 : memref<128x32xf32, #tpu.memory_space<vmem>>) offsets(%dma_start3A_423 : memref<128xi32, #tpu.memory_space<vmem>>) semaphore(%arg8 : memref<!tpu.dma_semaphore, #tpu.memory_space<semaphore_mem>>)
      %mul3A_427 = arith.constant 8 : i32
      %mul3A_428 = arith.muli %add3A_300, %mul3A_427 : i32
      %add3A_429 = arith.constant 7 : i32
      %add3A_430 = arith.addi %mul3A_428, %add3A_429 : i32
      %dma_start3A_431 = arith.constant 1 : i32
      %dma_start3A_432 = arith.constant 0 : i32
      %dma_start3A_433 = arith.constant 0 : i32
      %dma_start3A_434 = tpu.memref_slice %arg6[%dma_start3A_431, %dma_start3A_432, %dma_start3A_433] : memref<2x1024x32xf32, #tpu.memory_space<vmem>> -> memref<1x1024x32xf32, #tpu.memory_space<vmem>>
      %dma_start3A_435 = tpu.memref_squeeze %dma_start3A_434 : memref<1x1024x32xf32, #tpu.memory_space<vmem>> -> memref<1024x32xf32, #tpu.memory_space<vmem>>
      %dma_start3A_436 = arith.constant 896 : i32
      %dma_start3A_437 = arith.constant 0 : i32
      %dma_start3A_438 = tpu.memref_slice %dma_start3A_435[%dma_start3A_436, %dma_start3A_437] : memref<1024x32xf32, #tpu.memory_space<vmem>> -> memref<128x32xf32, #tpu.memory_space<vmem>>
      %dma_start3A_439 = arith.constant 0 : i32
      %dma_start3A_440 = tpu.memref_slice %arg5[%add3A_430, %dma_start3A_439] : memref<104x128xi32, #tpu.memory_space<vmem>> -> memref<1x128xi32, #tpu.memory_space<vmem>>
      %dma_start3A_441 = tpu.memref_squeeze %dma_start3A_440 : memref<1x128xi32, #tpu.memory_space<vmem>> -> memref<128xi32, #tpu.memory_space<vmem>>
      %dma_start3A_442 = arith.constant 0 : i32
      %dma_start3A_443 = arith.constant 0 : i32
      %dma_start3A_444 = tpu.memref_slice %arg3[%dma_start3A_442, %dma_start3A_443] : memref<1000000x32xf32, #tpu.memory_space<hbm>> -> memref<1000000x32xf32, #tpu.memory_space<hbm>>
      tpu.enqueue_indirect_dma source(%dma_start3A_444 : memref<1000000x32xf32, #tpu.memory_space<hbm>>) target(%dma_start3A_438 : memref<128x32xf32, #tpu.memory_space<vmem>>) offsets(%dma_start3A_441 : memref<128xi32, #tpu.memory_space<vmem>>) semaphore(%arg8 : memref<!tpu.dma_semaphore, #tpu.memory_space<semaphore_mem>>)
      %mul3A_445 = arith.constant 8 : i32
      %mul3A_446 = arith.muli %mul3A_296, %mul3A_445 : i32
      %add3A_447 = arith.constant 0 : i32
      %add3A_448 = arith.addi %mul3A_446, %add3A_447 : i32
      %dma_wait3A_449 = arith.constant 0 : i32
      %dma_wait3A_450 = arith.constant 0 : i32
      %dma_wait3A_451 = arith.constant 0 : i32
      %dma_wait3A_452 = tpu.memref_slice %arg6[%dma_wait3A_449, %dma_wait3A_450, %dma_wait3A_451] : memref<2x1024x32xf32, #tpu.memory_space<vmem>> -> memref<1x1024x32xf32, #tpu.memory_space<vmem>>
      %dma_wait3A_453 = tpu.memref_squeeze %dma_wait3A_452 : memref<1x1024x32xf32, #tpu.memory_space<vmem>> -> memref<1024x32xf32, #tpu.memory_space<vmem>>
      %dma_wait3A_454 = arith.constant 0 : i32
      %dma_wait3A_455 = arith.constant 0 : i32
      %dma_wait3A_456 = tpu.memref_slice %dma_wait3A_453[%dma_wait3A_454, %dma_wait3A_455] : memref<1024x32xf32, #tpu.memory_space<vmem>> -> memref<128x32xf32, #tpu.memory_space<vmem>>
      %dma_wait3A_457 = arith.constant 0 : i32
      %dma_wait3A_458 = tpu.memref_slice %arg5[%add3A_448, %dma_wait3A_457] : memref<104x128xi32, #tpu.memory_space<vmem>> -> memref<1x128xi32, #tpu.memory_space<vmem>>
      %dma_wait3A_459 = tpu.memref_squeeze %dma_wait3A_458 : memref<1x128xi32, #tpu.memory_space<vmem>> -> memref<128xi32, #tpu.memory_space<vmem>>
      %dma_wait3A_460 = arith.constant 0 : i32
      %dma_wait3A_461 = arith.constant 0 : i32
      %dma_wait3A_462 = tpu.memref_slice %arg3[%dma_wait3A_460, %dma_wait3A_461] : memref<1000000x32xf32, #tpu.memory_space<hbm>> -> memref<1000000x32xf32, #tpu.memory_space<hbm>>
      tpu.wait_indirect_dma semaphore(%arg7 : memref<!tpu.dma_semaphore, #tpu.memory_space<semaphore_mem>>) src(%dma_wait3A_462 : memref<1000000x32xf32, #tpu.memory_space<hbm>>) dst(%dma_wait3A_456 : memref<128x32xf32, #tpu.memory_space<vmem>>)
      %mul3A_463 = arith.constant 8 : i32
      %mul3A_464 = arith.muli %mul3A_296, %mul3A_463 : i32
      %add3A_465 = arith.constant 1 : i32
      %add3A_466 = arith.addi %mul3A_464, %add3A_465 : i32
      %dma_wait3A_467 = arith.constant 0 : i32
      %dma_wait3A_468 = arith.constant 0 : i32
      %dma_wait3A_469 = arith.constant 0 : i32
      %dma_wait3A_470 = tpu.memref_slice %arg6[%dma_wait3A_467, %dma_wait3A_468, %dma_wait3A_469] : memref<2x1024x32xf32, #tpu.memory_space<vmem>> -> memref<1x1024x32xf32, #tpu.memory_space<vmem>>
      %dma_wait3A_471 = tpu.memref_squeeze %dma_wait3A_470 : memref<1x1024x32xf32, #tpu.memory_space<vmem>> -> memref<1024x32xf32, #tpu.memory_space<vmem>>
      %dma_wait3A_472 = arith.constant 128 : i32
      %dma_wait3A_473 = arith.constant 0 : i32
      %dma_wait3A_474 = tpu.memref_slice %dma_wait3A_471[%dma_wait3A_472, %dma_wait3A_473] : memref<1024x32xf32, #tpu.memory_space<vmem>> -> memref<128x32xf32, #tpu.memory_space<vmem>>
      %dma_wait3A_475 = arith.constant 0 : i32
      %dma_wait3A_476 = tpu.memref_slice %arg5[%add3A_466, %dma_wait3A_475] : memref<104x128xi32, #tpu.memory_space<vmem>> -> memref<1x128xi32, #tpu.memory_space<vmem>>
      %dma_wait3A_477 = tpu.memref_squeeze %dma_wait3A_476 : memref<1x128xi32, #tpu.memory_space<vmem>> -> memref<128xi32, #tpu.memory_space<vmem>>
      %dma_wait3A_478 = arith.constant 0 : i32
      %dma_wait3A_479 = arith.constant 0 : i32
      %dma_wait3A_480 = tpu.memref_slice %arg3[%dma_wait3A_478, %dma_wait3A_479] : memref<1000000x32xf32, #tpu.memory_space<hbm>> -> memref<1000000x32xf32, #tpu.memory_space<hbm>>
      tpu.wait_indirect_dma semaphore(%arg7 : memref<!tpu.dma_semaphore, #tpu.memory_space<semaphore_mem>>) src(%dma_wait3A_480 : memref<1000000x32xf32, #tpu.memory_space<hbm>>) dst(%dma_wait3A_474 : memref<128x32xf32, #tpu.memory_space<vmem>>)
      %mul3A_481 = arith.constant 8 : i32
      %mul3A_482 = arith.muli %mul3A_296, %mul3A_481 : i32
      %add3A_483 = arith.constant 2 : i32
      %add3A_484 = arith.addi %mul3A_482, %add3A_483 : i32
      %dma_wait3A_485 = arith.constant 0 : i32
      %dma_wait3A_486 = arith.constant 0 : i32
      %dma_wait3A_487 = arith.constant 0 : i32
      %dma_wait3A_488 = tpu.memref_slice %arg6[%dma_wait3A_485, %dma_wait3A_486, %dma_wait3A_487] : memref<2x1024x32xf32, #tpu.memory_space<vmem>> -> memref<1x1024x32xf32, #tpu.memory_space<vmem>>
      %dma_wait3A_489 = tpu.memref_squeeze %dma_wait3A_488 : memref<1x1024x32xf32, #tpu.memory_space<vmem>> -> memref<1024x32xf32, #tpu.memory_space<vmem>>
      %dma_wait3A_490 = arith.constant 256 : i32
      %dma_wait3A_491 = arith.constant 0 : i32
      %dma_wait3A_492 = tpu.memref_slice %dma_wait3A_489[%dma_wait3A_490, %dma_wait3A_491] : memref<1024x32xf32, #tpu.memory_space<vmem>> -> memref<128x32xf32, #tpu.memory_space<vmem>>
      %dma_wait3A_493 = arith.constant 0 : i32
      %dma_wait3A_494 = tpu.memref_slice %arg5[%add3A_484, %dma_wait3A_493] : memref<104x128xi32, #tpu.memory_space<vmem>> -> memref<1x128xi32, #tpu.memory_space<vmem>>
      %dma_wait3A_495 = tpu.memref_squeeze %dma_wait3A_494 : memref<1x128xi32, #tpu.memory_space<vmem>> -> memref<128xi32, #tpu.memory_space<vmem>>
      %dma_wait3A_496 = arith.constant 0 : i32
      %dma_wait3A_497 = arith.constant 0 : i32
      %dma_wait3A_498 = tpu.memref_slice %arg3[%dma_wait3A_496, %dma_wait3A_497] : memref<1000000x32xf32, #tpu.memory_space<hbm>> -> memref<1000000x32xf32, #tpu.memory_space<hbm>>
      tpu.wait_indirect_dma semaphore(%arg7 : memref<!tpu.dma_semaphore, #tpu.memory_space<semaphore_mem>>) src(%dma_wait3A_498 : memref<1000000x32xf32, #tpu.memory_space<hbm>>) dst(%dma_wait3A_492 : memref<128x32xf32, #tpu.memory_space<vmem>>)
      %mul3A_499 = arith.constant 8 : i32
      %mul3A_500 = arith.muli %mul3A_296, %mul3A_499 : i32
      %add3A_501 = arith.constant 3 : i32
      %add3A_502 = arith.addi %mul3A_500, %add3A_501 : i32
      %dma_wait3A_503 = arith.constant 0 : i32
      %dma_wait3A_504 = arith.constant 0 : i32
      %dma_wait3A_505 = arith.constant 0 : i32
      %dma_wait3A_506 = tpu.memref_slice %arg6[%dma_wait3A_503, %dma_wait3A_504, %dma_wait3A_505] : memref<2x1024x32xf32, #tpu.memory_space<vmem>> -> memref<1x1024x32xf32, #tpu.memory_space<vmem>>
      %dma_wait3A_507 = tpu.memref_squeeze %dma_wait3A_506 : memref<1x1024x32xf32, #tpu.memory_space<vmem>> -> memref<1024x32xf32, #tpu.memory_space<vmem>>
      %dma_wait3A_508 = arith.constant 384 : i32
      %dma_wait3A_509 = arith.constant 0 : i32
      %dma_wait3A_510 = tpu.memref_slice %dma_wait3A_507[%dma_wait3A_508, %dma_wait3A_509] : memref<1024x32xf32, #tpu.memory_space<vmem>> -> memref<128x32xf32, #tpu.memory_space<vmem>>
      %dma_wait3A_511 = arith.constant 0 : i32
      %dma_wait3A_512 = tpu.memref_slice %arg5[%add3A_502, %dma_wait3A_511] : memref<104x128xi32, #tpu.memory_space<vmem>> -> memref<1x128xi32, #tpu.memory_space<vmem>>
      %dma_wait3A_513 = tpu.memref_squeeze %dma_wait3A_512 : memref<1x128xi32, #tpu.memory_space<vmem>> -> memref<128xi32, #tpu.memory_space<vmem>>
      %dma_wait3A_514 = arith.constant 0 : i32
      %dma_wait3A_515 = arith.constant 0 : i32
      %dma_wait3A_516 = tpu.memref_slice %arg3[%dma_wait3A_514, %dma_wait3A_515] : memref<1000000x32xf32, #tpu.memory_space<hbm>> -> memref<1000000x32xf32, #tpu.memory_space<hbm>>
      tpu.wait_indirect_dma semaphore(%arg7 : memref<!tpu.dma_semaphore, #tpu.memory_space<semaphore_mem>>) src(%dma_wait3A_516 : memref<1000000x32xf32, #tpu.memory_space<hbm>>) dst(%dma_wait3A_510 : memref<128x32xf32, #tpu.memory_space<vmem>>)
      %mul3A_517 = arith.constant 8 : i32
      %mul3A_518 = arith.muli %mul3A_296, %mul3A_517 : i32
      %add3A_519 = arith.constant 4 : i32
      %add3A_520 = arith.addi %mul3A_518, %add3A_519 : i32
      %dma_wait3A_521 = arith.constant 0 : i32
      %dma_wait3A_522 = arith.constant 0 : i32
      %dma_wait3A_523 = arith.constant 0 : i32
      %dma_wait3A_524 = tpu.memref_slice %arg6[%dma_wait3A_521, %dma_wait3A_522, %dma_wait3A_523] : memref<2x1024x32xf32, #tpu.memory_space<vmem>> -> memref<1x1024x32xf32, #tpu.memory_space<vmem>>
      %dma_wait3A_525 = tpu.memref_squeeze %dma_wait3A_524 : memref<1x1024x32xf32, #tpu.memory_space<vmem>> -> memref<1024x32xf32, #tpu.memory_space<vmem>>
      %dma_wait3A_526 = arith.constant 512 : i32
      %dma_wait3A_527 = arith.constant 0 : i32
      %dma_wait3A_528 = tpu.memref_slice %dma_wait3A_525[%dma_wait3A_526, %dma_wait3A_527] : memref<1024x32xf32, #tpu.memory_space<vmem>> -> memref<128x32xf32, #tpu.memory_space<vmem>>
      %dma_wait3A_529 = arith.constant 0 : i32
      %dma_wait3A_530 = tpu.memref_slice %arg5[%add3A_520, %dma_wait3A_529] : memref<104x128xi32, #tpu.memory_space<vmem>> -> memref<1x128xi32, #tpu.memory_space<vmem>>
      %dma_wait3A_531 = tpu.memref_squeeze %dma_wait3A_530 : memref<1x128xi32, #tpu.memory_space<vmem>> -> memref<128xi32, #tpu.memory_space<vmem>>
      %dma_wait3A_532 = arith.constant 0 : i32
      %dma_wait3A_533 = arith.constant 0 : i32
      %dma_wait3A_534 = tpu.memref_slice %arg3[%dma_wait3A_532, %dma_wait3A_533] : memref<1000000x32xf32, #tpu.memory_space<hbm>> -> memref<1000000x32xf32, #tpu.memory_space<hbm>>
      tpu.wait_indirect_dma semaphore(%arg7 : memref<!tpu.dma_semaphore, #tpu.memory_space<semaphore_mem>>) src(%dma_wait3A_534 : memref<1000000x32xf32, #tpu.memory_space<hbm>>) dst(%dma_wait3A_528 : memref<128x32xf32, #tpu.memory_space<vmem>>)
      %mul3A_535 = arith.constant 8 : i32
      %mul3A_536 = arith.muli %mul3A_296, %mul3A_535 : i32
      %add3A_537 = arith.constant 5 : i32
      %add3A_538 = arith.addi %mul3A_536, %add3A_537 : i32
      %dma_wait3A_539 = arith.constant 0 : i32
      %dma_wait3A_540 = arith.constant 0 : i32
      %dma_wait3A_541 = arith.constant 0 : i32
      %dma_wait3A_542 = tpu.memref_slice %arg6[%dma_wait3A_539, %dma_wait3A_540, %dma_wait3A_541] : memref<2x1024x32xf32, #tpu.memory_space<vmem>> -> memref<1x1024x32xf32, #tpu.memory_space<vmem>>
      %dma_wait3A_543 = tpu.memref_squeeze %dma_wait3A_542 : memref<1x1024x32xf32, #tpu.memory_space<vmem>> -> memref<1024x32xf32, #tpu.memory_space<vmem>>
      %dma_wait3A_544 = arith.constant 640 : i32
      %dma_wait3A_545 = arith.constant 0 : i32
      %dma_wait3A_546 = tpu.memref_slice %dma_wait3A_543[%dma_wait3A_544, %dma_wait3A_545] : memref<1024x32xf32, #tpu.memory_space<vmem>> -> memref<128x32xf32, #tpu.memory_space<vmem>>
      %dma_wait3A_547 = arith.constant 0 : i32
      %dma_wait3A_548 = tpu.memref_slice %arg5[%add3A_538, %dma_wait3A_547] : memref<104x128xi32, #tpu.memory_space<vmem>> -> memref<1x128xi32, #tpu.memory_space<vmem>>
      %dma_wait3A_549 = tpu.memref_squeeze %dma_wait3A_548 : memref<1x128xi32, #tpu.memory_space<vmem>> -> memref<128xi32, #tpu.memory_space<vmem>>
      %dma_wait3A_550 = arith.constant 0 : i32
      %dma_wait3A_551 = arith.constant 0 : i32
      %dma_wait3A_552 = tpu.memref_slice %arg3[%dma_wait3A_550, %dma_wait3A_551] : memref<1000000x32xf32, #tpu.memory_space<hbm>> -> memref<1000000x32xf32, #tpu.memory_space<hbm>>
      tpu.wait_indirect_dma semaphore(%arg7 : memref<!tpu.dma_semaphore, #tpu.memory_space<semaphore_mem>>) src(%dma_wait3A_552 : memref<1000000x32xf32, #tpu.memory_space<hbm>>) dst(%dma_wait3A_546 : memref<128x32xf32, #tpu.memory_space<vmem>>)
      %mul3A_553 = arith.constant 8 : i32
      %mul3A_554 = arith.muli %mul3A_296, %mul3A_553 : i32
      %add3A_555 = arith.constant 6 : i32
      %add3A_556 = arith.addi %mul3A_554, %add3A_555 : i32
      %dma_wait3A_557 = arith.constant 0 : i32
      %dma_wait3A_558 = arith.constant 0 : i32
      %dma_wait3A_559 = arith.constant 0 : i32
      %dma_wait3A_560 = tpu.memref_slice %arg6[%dma_wait3A_557, %dma_wait3A_558, %dma_wait3A_559] : memref<2x1024x32xf32, #tpu.memory_space<vmem>> -> memref<1x1024x32xf32, #tpu.memory_space<vmem>>
      %dma_wait3A_561 = tpu.memref_squeeze %dma_wait3A_560 : memref<1x1024x32xf32, #tpu.memory_space<vmem>> -> memref<1024x32xf32, #tpu.memory_space<vmem>>
      %dma_wait3A_562 = arith.constant 768 : i32
      %dma_wait3A_563 = arith.constant 0 : i32
      %dma_wait3A_564 = tpu.memref_slice %dma_wait3A_561[%dma_wait3A_562, %dma_wait3A_563] : memref<1024x32xf32, #tpu.memory_space<vmem>> -> memref<128x32xf32, #tpu.memory_space<vmem>>
      %dma_wait3A_565 = arith.constant 0 : i32
      %dma_wait3A_566 = tpu.memref_slice %arg5[%add3A_556, %dma_wait3A_565] : memref<104x128xi32, #tpu.memory_space<vmem>> -> memref<1x128xi32, #tpu.memory_space<vmem>>
      %dma_wait3A_567 = tpu.memref_squeeze %dma_wait3A_566 : memref<1x128xi32, #tpu.memory_space<vmem>> -> memref<128xi32, #tpu.memory_space<vmem>>
      %dma_wait3A_568 = arith.constant 0 : i32
      %dma_wait3A_569 = arith.constant 0 : i32
      %dma_wait3A_570 = tpu.memref_slice %arg3[%dma_wait3A_568, %dma_wait3A_569] : memref<1000000x32xf32, #tpu.memory_space<hbm>> -> memref<1000000x32xf32, #tpu.memory_space<hbm>>
      tpu.wait_indirect_dma semaphore(%arg7 : memref<!tpu.dma_semaphore, #tpu.memory_space<semaphore_mem>>) src(%dma_wait3A_570 : memref<1000000x32xf32, #tpu.memory_space<hbm>>) dst(%dma_wait3A_564 : memref<128x32xf32, #tpu.memory_space<vmem>>)
      %mul3A_571 = arith.constant 8 : i32
      %mul3A_572 = arith.muli %mul3A_296, %mul3A_571 : i32
      %add3A_573 = arith.constant 7 : i32
      %add3A_574 = arith.addi %mul3A_572, %add3A_573 : i32
      %dma_wait3A_575 = arith.constant 0 : i32
      %dma_wait3A_576 = arith.constant 0 : i32
      %dma_wait3A_577 = arith.constant 0 : i32
      %dma_wait3A_578 = tpu.memref_slice %arg6[%dma_wait3A_575, %dma_wait3A_576, %dma_wait3A_577] : memref<2x1024x32xf32, #tpu.memory_space<vmem>> -> memref<1x1024x32xf32, #tpu.memory_space<vmem>>
      %dma_wait3A_579 = tpu.memref_squeeze %dma_wait3A_578 : memref<1x1024x32xf32, #tpu.memory_space<vmem>> -> memref<1024x32xf32, #tpu.memory_space<vmem>>
      %dma_wait3A_580 = arith.constant 896 : i32
      %dma_wait3A_581 = arith.constant 0 : i32
      %dma_wait3A_582 = tpu.memref_slice %dma_wait3A_579[%dma_wait3A_580, %dma_wait3A_581] : memref<1024x32xf32, #tpu.memory_space<vmem>> -> memref<128x32xf32, #tpu.memory_space<vmem>>
      %dma_wait3A_583 = arith.constant 0 : i32
      %dma_wait3A_584 = tpu.memref_slice %arg5[%add3A_574, %dma_wait3A_583] : memref<104x128xi32, #tpu.memory_space<vmem>> -> memref<1x128xi32, #tpu.memory_space<vmem>>
      %dma_wait3A_585 = tpu.memref_squeeze %dma_wait3A_584 : memref<1x128xi32, #tpu.memory_space<vmem>> -> memref<128xi32, #tpu.memory_space<vmem>>
      %dma_wait3A_586 = arith.constant 0 : i32
      %dma_wait3A_587 = arith.constant 0 : i32
      %dma_wait3A_588 = tpu.memref_slice %arg3[%dma_wait3A_586, %dma_wait3A_587] : memref<1000000x32xf32, #tpu.memory_space<hbm>> -> memref<1000000x32xf32, #tpu.memory_space<hbm>>
      tpu.wait_indirect_dma semaphore(%arg7 : memref<!tpu.dma_semaphore, #tpu.memory_space<semaphore_mem>>) src(%dma_wait3A_588 : memref<1000000x32xf32, #tpu.memory_space<hbm>>) dst(%dma_wait3A_582 : memref<128x32xf32, #tpu.memory_space<vmem>>)
      %mul3A_589 = arith.constant 1024 : i32
      %mul3A_590 = arith.muli %mul3A_296, %mul3A_589 : i32
      %add3A_591 = arith.addi %mul3A_2, %mul3A_590 : i32
      %dma_start3A_592 = arith.constant 0 : i32
      %dma_start3A_593 = arith.constant 0 : i32
      %dma_start3A_594 = arith.constant 0 : i32
      %dma_start3A_595 = tpu.memref_slice %arg6[%dma_start3A_592, %dma_start3A_593, %dma_start3A_594] : memref<2x1024x32xf32, #tpu.memory_space<vmem>> -> memref<1x1024x32xf32, #tpu.memory_space<vmem>>
      %dma_start3A_596 = tpu.memref_squeeze %dma_start3A_595 : memref<1x1024x32xf32, #tpu.memory_space<vmem>> -> memref<1024x32xf32, #tpu.memory_space<vmem>>
      %dma_start3A_597 = arith.constant 0 : i32
      %dma_start3A_598 = tpu.memref_slice %arg4[%add3A_591, %dma_start3A_597] : memref<425984x32xf32, #tpu.memory_space<hbm>> -> memref<1024x32xf32, #tpu.memory_space<hbm>>
      %dma_start3A_599 = arith.constant 0 : i32
      %dma_start3A_600 = tpu.memref_slice %arg4[%add3A_591, %dma_start3A_599] : memref<425984x32xf32, #tpu.memory_space<hbm>> -> memref<1024x32xf32, #tpu.memory_space<hbm>>
      %dma_start3A_601 = arith.constant 0 : i32
      %dma_start3A_602 = arith.constant 0 : i32
      %dma_start3A_603 = tpu.memref_slice %arg6[%dma_start3A_592, %dma_start3A_601, %dma_start3A_602] : memref<2x1024x32xf32, #tpu.memory_space<vmem>> -> memref<1x1024x32xf32, #tpu.memory_space<vmem>>
      %dma_start3A_604 = tpu.memref_squeeze %dma_start3A_603 : memref<1x1024x32xf32, #tpu.memory_space<vmem>> -> memref<1024x32xf32, #tpu.memory_space<vmem>>
      tpu.enqueue_dma source(%dma_start3A_604 : memref<1024x32xf32, #tpu.memory_space<vmem>>) target(%dma_start3A_600 : memref<1024x32xf32, #tpu.memory_space<hbm>>) target_semaphore(%arg9 : memref<!tpu.dma_semaphore, #tpu.memory_space<semaphore_mem>>)
      %mul3A_605 = arith.constant 1024 : i32
      %mul3A_606 = arith.muli %mul3A_296, %mul3A_605 : i32
      %add3A_607 = arith.addi %mul3A_2, %mul3A_606 : i32
      %dma_wait3A_608 = arith.constant 0 : i32
      %dma_wait3A_609 = arith.constant 0 : i32
      %dma_wait3A_610 = arith.constant 0 : i32
      %dma_wait3A_611 = tpu.memref_slice %arg6[%dma_wait3A_608, %dma_wait3A_609, %dma_wait3A_610] : memref<2x1024x32xf32, #tpu.memory_space<vmem>> -> memref<1x1024x32xf32, #tpu.memory_space<vmem>>
      %dma_wait3A_612 = tpu.memref_squeeze %dma_wait3A_611 : memref<1x1024x32xf32, #tpu.memory_space<vmem>> -> memref<1024x32xf32, #tpu.memory_space<vmem>>
      %dma_wait3A_613 = arith.constant 0 : i32
      %dma_wait3A_614 = tpu.memref_slice %arg4[%add3A_607, %dma_wait3A_613] : memref<425984x32xf32, #tpu.memory_space<hbm>> -> memref<1024x32xf32, #tpu.memory_space<hbm>>
      %dma_wait3A_615 = arith.constant 0 : i32
      %dma_wait3A_616 = tpu.memref_slice %arg4[%add3A_607, %dma_wait3A_615] : memref<425984x32xf32, #tpu.memory_space<hbm>> -> memref<1024x32xf32, #tpu.memory_space<hbm>>
      %dma_wait3A_617 = arith.constant 0 : i32
      %dma_wait3A_618 = arith.constant 0 : i32
      %dma_wait3A_619 = tpu.memref_slice %arg6[%dma_wait3A_608, %dma_wait3A_617, %dma_wait3A_618] : memref<2x1024x32xf32, #tpu.memory_space<vmem>> -> memref<1x1024x32xf32, #tpu.memory_space<vmem>>
      %dma_wait3A_620 = tpu.memref_squeeze %dma_wait3A_619 : memref<1x1024x32xf32, #tpu.memory_space<vmem>> -> memref<1024x32xf32, #tpu.memory_space<vmem>>
      tpu.wait_dma2 semaphore(%arg9 : memref<!tpu.dma_semaphore, #tpu.memory_space<semaphore_mem>>) src(%dma_wait3A_620 : memref<1024x32xf32, #tpu.memory_space<vmem>>) dst(%dma_wait3A_616 : memref<1024x32xf32, #tpu.memory_space<hbm>>)
      %add3A_621 = arith.constant 2 : i32
      %add3A_622 = arith.addi %mul3A_296, %add3A_621 : i32
      %lt3A = arith.constant 13 : i32
      %lt3A_623 = arith.cmpi slt, %add3A_622, %lt3A : i32
      %convert_element_type3A_624 = arith.extui %lt3A_623 : i1 to i32
      %cond3A_625 = arith.constant 0 : i32
      %cond3A_626 = arith.cmpi ne, %convert_element_type3A_624, %cond3A_625 : i32
      scf.if %cond3A_626 {
        %add3A_791 = arith.constant 2 : i32
        %add3A_792 = arith.addi %mul3A_296, %add3A_791 : i32
        %mul3A_793 = arith.constant 8 : i32
        %mul3A_794 = arith.muli %add3A_792, %mul3A_793 : i32
        %add3A_795 = arith.constant 0 : i32
        %add3A_796 = arith.addi %mul3A_794, %add3A_795 : i32
        %dma_start3A_797 = arith.constant 0 : i32
        %dma_start3A_798 = arith.constant 0 : i32
        %dma_start3A_799 = arith.constant 0 : i32
        %dma_start3A_800 = tpu.memref_slice %arg6[%dma_start3A_797, %dma_start3A_798, %dma_start3A_799] : memref<2x1024x32xf32, #tpu.memory_space<vmem>> -> memref<1x1024x32xf32, #tpu.memory_space<vmem>>
        %dma_start3A_801 = tpu.memref_squeeze %dma_start3A_800 : memref<1x1024x32xf32, #tpu.memory_space<vmem>> -> memref<1024x32xf32, #tpu.memory_space<vmem>>
        %dma_start3A_802 = arith.constant 0 : i32
        %dma_start3A_803 = arith.constant 0 : i32
        %dma_start3A_804 = tpu.memref_slice %dma_start3A_801[%dma_start3A_802, %dma_start3A_803] : memref<1024x32xf32, #tpu.memory_space<vmem>> -> memref<128x32xf32, #tpu.memory_space<vmem>>
        %dma_start3A_805 = arith.constant 0 : i32
        %dma_start3A_806 = tpu.memref_slice %arg5[%add3A_796, %dma_start3A_805] : memref<104x128xi32, #tpu.memory_space<vmem>> -> memref<1x128xi32, #tpu.memory_space<vmem>>
        %dma_start3A_807 = tpu.memref_squeeze %dma_start3A_806 : memref<1x128xi32, #tpu.memory_space<vmem>> -> memref<128xi32, #tpu.memory_space<vmem>>
        %dma_start3A_808 = arith.constant 0 : i32
        %dma_start3A_809 = arith.constant 0 : i32
        %dma_start3A_810 = tpu.memref_slice %arg3[%dma_start3A_808, %dma_start3A_809] : memref<1000000x32xf32, #tpu.memory_space<hbm>> -> memref<1000000x32xf32, #tpu.memory_space<hbm>>
        tpu.enqueue_indirect_dma source(%dma_start3A_810 : memref<1000000x32xf32, #tpu.memory_space<hbm>>) target(%dma_start3A_804 : memref<128x32xf32, #tpu.memory_space<vmem>>) offsets(%dma_start3A_807 : memref<128xi32, #tpu.memory_space<vmem>>) semaphore(%arg7 : memref<!tpu.dma_semaphore, #tpu.memory_space<semaphore_mem>>)
        %mul3A_811 = arith.constant 8 : i32
        %mul3A_812 = arith.muli %add3A_792, %mul3A_811 : i32
        %add3A_813 = arith.constant 1 : i32
        %add3A_814 = arith.addi %mul3A_812, %add3A_813 : i32
        %dma_start3A_815 = arith.constant 0 : i32
        %dma_start3A_816 = arith.constant 0 : i32
        %dma_start3A_817 = arith.constant 0 : i32
        %dma_start3A_818 = tpu.memref_slice %arg6[%dma_start3A_815, %dma_start3A_816, %dma_start3A_817] : memref<2x1024x32xf32, #tpu.memory_space<vmem>> -> memref<1x1024x32xf32, #tpu.memory_space<vmem>>
        %dma_start3A_819 = tpu.memref_squeeze %dma_start3A_818 : memref<1x1024x32xf32, #tpu.memory_space<vmem>> -> memref<1024x32xf32, #tpu.memory_space<vmem>>
        %dma_start3A_820 = arith.constant 128 : i32
        %dma_start3A_821 = arith.constant 0 : i32
        %dma_start3A_822 = tpu.memref_slice %dma_start3A_819[%dma_start3A_820, %dma_start3A_821] : memref<1024x32xf32, #tpu.memory_space<vmem>> -> memref<128x32xf32, #tpu.memory_space<vmem>>
        %dma_start3A_823 = arith.constant 0 : i32
        %dma_start3A_824 = tpu.memref_slice %arg5[%add3A_814, %dma_start3A_823] : memref<104x128xi32, #tpu.memory_space<vmem>> -> memref<1x128xi32, #tpu.memory_space<vmem>>
        %dma_start3A_825 = tpu.memref_squeeze %dma_start3A_824 : memref<1x128xi32, #tpu.memory_space<vmem>> -> memref<128xi32, #tpu.memory_space<vmem>>
        %dma_start3A_826 = arith.constant 0 : i32
        %dma_start3A_827 = arith.constant 0 : i32
        %dma_start3A_828 = tpu.memref_slice %arg3[%dma_start3A_826, %dma_start3A_827] : memref<1000000x32xf32, #tpu.memory_space<hbm>> -> memref<1000000x32xf32, #tpu.memory_space<hbm>>
        tpu.enqueue_indirect_dma source(%dma_start3A_828 : memref<1000000x32xf32, #tpu.memory_space<hbm>>) target(%dma_start3A_822 : memref<128x32xf32, #tpu.memory_space<vmem>>) offsets(%dma_start3A_825 : memref<128xi32, #tpu.memory_space<vmem>>) semaphore(%arg7 : memref<!tpu.dma_semaphore, #tpu.memory_space<semaphore_mem>>)
        %mul3A_829 = arith.constant 8 : i32
        %mul3A_830 = arith.muli %add3A_792, %mul3A_829 : i32
        %add3A_831 = arith.constant 2 : i32
        %add3A_832 = arith.addi %mul3A_830, %add3A_831 : i32
        %dma_start3A_833 = arith.constant 0 : i32
        %dma_start3A_834 = arith.constant 0 : i32
        %dma_start3A_835 = arith.constant 0 : i32
        %dma_start3A_836 = tpu.memref_slice %arg6[%dma_start3A_833, %dma_start3A_834, %dma_start3A_835] : memref<2x1024x32xf32, #tpu.memory_space<vmem>> -> memref<1x1024x32xf32, #tpu.memory_space<vmem>>
        %dma_start3A_837 = tpu.memref_squeeze %dma_start3A_836 : memref<1x1024x32xf32, #tpu.memory_space<vmem>> -> memref<1024x32xf32, #tpu.memory_space<vmem>>
        %dma_start3A_838 = arith.constant 256 : i32
        %dma_start3A_839 = arith.constant 0 : i32
        %dma_start3A_840 = tpu.memref_slice %dma_start3A_837[%dma_start3A_838, %dma_start3A_839] : memref<1024x32xf32, #tpu.memory_space<vmem>> -> memref<128x32xf32, #tpu.memory_space<vmem>>
        %dma_start3A_841 = arith.constant 0 : i32
        %dma_start3A_842 = tpu.memref_slice %arg5[%add3A_832, %dma_start3A_841] : memref<104x128xi32, #tpu.memory_space<vmem>> -> memref<1x128xi32, #tpu.memory_space<vmem>>
        %dma_start3A_843 = tpu.memref_squeeze %dma_start3A_842 : memref<1x128xi32, #tpu.memory_space<vmem>> -> memref<128xi32, #tpu.memory_space<vmem>>
        %dma_start3A_844 = arith.constant 0 : i32
        %dma_start3A_845 = arith.constant 0 : i32
        %dma_start3A_846 = tpu.memref_slice %arg3[%dma_start3A_844, %dma_start3A_845] : memref<1000000x32xf32, #tpu.memory_space<hbm>> -> memref<1000000x32xf32, #tpu.memory_space<hbm>>
        tpu.enqueue_indirect_dma source(%dma_start3A_846 : memref<1000000x32xf32, #tpu.memory_space<hbm>>) target(%dma_start3A_840 : memref<128x32xf32, #tpu.memory_space<vmem>>) offsets(%dma_start3A_843 : memref<128xi32, #tpu.memory_space<vmem>>) semaphore(%arg7 : memref<!tpu.dma_semaphore, #tpu.memory_space<semaphore_mem>>)
        %mul3A_847 = arith.constant 8 : i32
        %mul3A_848 = arith.muli %add3A_792, %mul3A_847 : i32
        %add3A_849 = arith.constant 3 : i32
        %add3A_850 = arith.addi %mul3A_848, %add3A_849 : i32
        %dma_start3A_851 = arith.constant 0 : i32
        %dma_start3A_852 = arith.constant 0 : i32
        %dma_start3A_853 = arith.constant 0 : i32
        %dma_start3A_854 = tpu.memref_slice %arg6[%dma_start3A_851, %dma_start3A_852, %dma_start3A_853] : memref<2x1024x32xf32, #tpu.memory_space<vmem>> -> memref<1x1024x32xf32, #tpu.memory_space<vmem>>
        %dma_start3A_855 = tpu.memref_squeeze %dma_start3A_854 : memref<1x1024x32xf32, #tpu.memory_space<vmem>> -> memref<1024x32xf32, #tpu.memory_space<vmem>>
        %dma_start3A_856 = arith.constant 384 : i32
        %dma_start3A_857 = arith.constant 0 : i32
        %dma_start3A_858 = tpu.memref_slice %dma_start3A_855[%dma_start3A_856, %dma_start3A_857] : memref<1024x32xf32, #tpu.memory_space<vmem>> -> memref<128x32xf32, #tpu.memory_space<vmem>>
        %dma_start3A_859 = arith.constant 0 : i32
        %dma_start3A_860 = tpu.memref_slice %arg5[%add3A_850, %dma_start3A_859] : memref<104x128xi32, #tpu.memory_space<vmem>> -> memref<1x128xi32, #tpu.memory_space<vmem>>
        %dma_start3A_861 = tpu.memref_squeeze %dma_start3A_860 : memref<1x128xi32, #tpu.memory_space<vmem>> -> memref<128xi32, #tpu.memory_space<vmem>>
        %dma_start3A_862 = arith.constant 0 : i32
        %dma_start3A_863 = arith.constant 0 : i32
        %dma_start3A_864 = tpu.memref_slice %arg3[%dma_start3A_862, %dma_start3A_863] : memref<1000000x32xf32, #tpu.memory_space<hbm>> -> memref<1000000x32xf32, #tpu.memory_space<hbm>>
        tpu.enqueue_indirect_dma source(%dma_start3A_864 : memref<1000000x32xf32, #tpu.memory_space<hbm>>) target(%dma_start3A_858 : memref<128x32xf32, #tpu.memory_space<vmem>>) offsets(%dma_start3A_861 : memref<128xi32, #tpu.memory_space<vmem>>) semaphore(%arg7 : memref<!tpu.dma_semaphore, #tpu.memory_space<semaphore_mem>>)
        %mul3A_865 = arith.constant 8 : i32
        %mul3A_866 = arith.muli %add3A_792, %mul3A_865 : i32
        %add3A_867 = arith.constant 4 : i32
        %add3A_868 = arith.addi %mul3A_866, %add3A_867 : i32
        %dma_start3A_869 = arith.constant 0 : i32
        %dma_start3A_870 = arith.constant 0 : i32
        %dma_start3A_871 = arith.constant 0 : i32
        %dma_start3A_872 = tpu.memref_slice %arg6[%dma_start3A_869, %dma_start3A_870, %dma_start3A_871] : memref<2x1024x32xf32, #tpu.memory_space<vmem>> -> memref<1x1024x32xf32, #tpu.memory_space<vmem>>
        %dma_start3A_873 = tpu.memref_squeeze %dma_start3A_872 : memref<1x1024x32xf32, #tpu.memory_space<vmem>> -> memref<1024x32xf32, #tpu.memory_space<vmem>>
        %dma_start3A_874 = arith.constant 512 : i32
        %dma_start3A_875 = arith.constant 0 : i32
        %dma_start3A_876 = tpu.memref_slice %dma_start3A_873[%dma_start3A_874, %dma_start3A_875] : memref<1024x32xf32, #tpu.memory_space<vmem>> -> memref<128x32xf32, #tpu.memory_space<vmem>>
        %dma_start3A_877 = arith.constant 0 : i32
        %dma_start3A_878 = tpu.memref_slice %arg5[%add3A_868, %dma_start3A_877] : memref<104x128xi32, #tpu.memory_space<vmem>> -> memref<1x128xi32, #tpu.memory_space<vmem>>
        %dma_start3A_879 = tpu.memref_squeeze %dma_start3A_878 : memref<1x128xi32, #tpu.memory_space<vmem>> -> memref<128xi32, #tpu.memory_space<vmem>>
        %dma_start3A_880 = arith.constant 0 : i32
        %dma_start3A_881 = arith.constant 0 : i32
        %dma_start3A_882 = tpu.memref_slice %arg3[%dma_start3A_880, %dma_start3A_881] : memref<1000000x32xf32, #tpu.memory_space<hbm>> -> memref<1000000x32xf32, #tpu.memory_space<hbm>>
        tpu.enqueue_indirect_dma source(%dma_start3A_882 : memref<1000000x32xf32, #tpu.memory_space<hbm>>) target(%dma_start3A_876 : memref<128x32xf32, #tpu.memory_space<vmem>>) offsets(%dma_start3A_879 : memref<128xi32, #tpu.memory_space<vmem>>) semaphore(%arg7 : memref<!tpu.dma_semaphore, #tpu.memory_space<semaphore_mem>>)
        %mul3A_883 = arith.constant 8 : i32
        %mul3A_884 = arith.muli %add3A_792, %mul3A_883 : i32
        %add3A_885 = arith.constant 5 : i32
        %add3A_886 = arith.addi %mul3A_884, %add3A_885 : i32
        %dma_start3A_887 = arith.constant 0 : i32
        %dma_start3A_888 = arith.constant 0 : i32
        %dma_start3A_889 = arith.constant 0 : i32
        %dma_start3A_890 = tpu.memref_slice %arg6[%dma_start3A_887, %dma_start3A_888, %dma_start3A_889] : memref<2x1024x32xf32, #tpu.memory_space<vmem>> -> memref<1x1024x32xf32, #tpu.memory_space<vmem>>
        %dma_start3A_891 = tpu.memref_squeeze %dma_start3A_890 : memref<1x1024x32xf32, #tpu.memory_space<vmem>> -> memref<1024x32xf32, #tpu.memory_space<vmem>>
        %dma_start3A_892 = arith.constant 640 : i32
        %dma_start3A_893 = arith.constant 0 : i32
        %dma_start3A_894 = tpu.memref_slice %dma_start3A_891[%dma_start3A_892, %dma_start3A_893] : memref<1024x32xf32, #tpu.memory_space<vmem>> -> memref<128x32xf32, #tpu.memory_space<vmem>>
        %dma_start3A_895 = arith.constant 0 : i32
        %dma_start3A_896 = tpu.memref_slice %arg5[%add3A_886, %dma_start3A_895] : memref<104x128xi32, #tpu.memory_space<vmem>> -> memref<1x128xi32, #tpu.memory_space<vmem>>
        %dma_start3A_897 = tpu.memref_squeeze %dma_start3A_896 : memref<1x128xi32, #tpu.memory_space<vmem>> -> memref<128xi32, #tpu.memory_space<vmem>>
        %dma_start3A_898 = arith.constant 0 : i32
        %dma_start3A_899 = arith.constant 0 : i32
        %dma_start3A_900 = tpu.memref_slice %arg3[%dma_start3A_898, %dma_start3A_899] : memref<1000000x32xf32, #tpu.memory_space<hbm>> -> memref<1000000x32xf32, #tpu.memory_space<hbm>>
        tpu.enqueue_indirect_dma source(%dma_start3A_900 : memref<1000000x32xf32, #tpu.memory_space<hbm>>) target(%dma_start3A_894 : memref<128x32xf32, #tpu.memory_space<vmem>>) offsets(%dma_start3A_897 : memref<128xi32, #tpu.memory_space<vmem>>) semaphore(%arg7 : memref<!tpu.dma_semaphore, #tpu.memory_space<semaphore_mem>>)
        %mul3A_901 = arith.constant 8 : i32
        %mul3A_902 = arith.muli %add3A_792, %mul3A_901 : i32
        %add3A_903 = arith.constant 6 : i32
        %add3A_904 = arith.addi %mul3A_902, %add3A_903 : i32
        %dma_start3A_905 = arith.constant 0 : i32
        %dma_start3A_906 = arith.constant 0 : i32
        %dma_start3A_907 = arith.constant 0 : i32
        %dma_start3A_908 = tpu.memref_slice %arg6[%dma_start3A_905, %dma_start3A_906, %dma_start3A_907] : memref<2x1024x32xf32, #tpu.memory_space<vmem>> -> memref<1x1024x32xf32, #tpu.memory_space<vmem>>
        %dma_start3A_909 = tpu.memref_squeeze %dma_start3A_908 : memref<1x1024x32xf32, #tpu.memory_space<vmem>> -> memref<1024x32xf32, #tpu.memory_space<vmem>>
        %dma_start3A_910 = arith.constant 768 : i32
        %dma_start3A_911 = arith.constant 0 : i32
        %dma_start3A_912 = tpu.memref_slice %dma_start3A_909[%dma_start3A_910, %dma_start3A_911] : memref<1024x32xf32, #tpu.memory_space<vmem>> -> memref<128x32xf32, #tpu.memory_space<vmem>>
        %dma_start3A_913 = arith.constant 0 : i32
        %dma_start3A_914 = tpu.memref_slice %arg5[%add3A_904, %dma_start3A_913] : memref<104x128xi32, #tpu.memory_space<vmem>> -> memref<1x128xi32, #tpu.memory_space<vmem>>
        %dma_start3A_915 = tpu.memref_squeeze %dma_start3A_914 : memref<1x128xi32, #tpu.memory_space<vmem>> -> memref<128xi32, #tpu.memory_space<vmem>>
        %dma_start3A_916 = arith.constant 0 : i32
        %dma_start3A_917 = arith.constant 0 : i32
        %dma_start3A_918 = tpu.memref_slice %arg3[%dma_start3A_916, %dma_start3A_917] : memref<1000000x32xf32, #tpu.memory_space<hbm>> -> memref<1000000x32xf32, #tpu.memory_space<hbm>>
        tpu.enqueue_indirect_dma source(%dma_start3A_918 : memref<1000000x32xf32, #tpu.memory_space<hbm>>) target(%dma_start3A_912 : memref<128x32xf32, #tpu.memory_space<vmem>>) offsets(%dma_start3A_915 : memref<128xi32, #tpu.memory_space<vmem>>) semaphore(%arg7 : memref<!tpu.dma_semaphore, #tpu.memory_space<semaphore_mem>>)
        %mul3A_919 = arith.constant 8 : i32
        %mul3A_920 = arith.muli %add3A_792, %mul3A_919 : i32
        %add3A_921 = arith.constant 7 : i32
        %add3A_922 = arith.addi %mul3A_920, %add3A_921 : i32
        %dma_start3A_923 = arith.constant 0 : i32
        %dma_start3A_924 = arith.constant 0 : i32
        %dma_start3A_925 = arith.constant 0 : i32
        %dma_start3A_926 = tpu.memref_slice %arg6[%dma_start3A_923, %dma_start3A_924, %dma_start3A_925] : memref<2x1024x32xf32, #tpu.memory_space<vmem>> -> memref<1x1024x32xf32, #tpu.memory_space<vmem>>
        %dma_start3A_927 = tpu.memref_squeeze %dma_start3A_926 : memref<1x1024x32xf32, #tpu.memory_space<vmem>> -> memref<1024x32xf32, #tpu.memory_space<vmem>>
        %dma_start3A_928 = arith.constant 896 : i32
        %dma_start3A_929 = arith.constant 0 : i32
        %dma_start3A_930 = tpu.memref_slice %dma_start3A_927[%dma_start3A_928, %dma_start3A_929] : memref<1024x32xf32, #tpu.memory_space<vmem>> -> memref<128x32xf32, #tpu.memory_space<vmem>>
        %dma_start3A_931 = arith.constant 0 : i32
        %dma_start3A_932 = tpu.memref_slice %arg5[%add3A_922, %dma_start3A_931] : memref<104x128xi32, #tpu.memory_space<vmem>> -> memref<1x128xi32, #tpu.memory_space<vmem>>
        %dma_start3A_933 = tpu.memref_squeeze %dma_start3A_932 : memref<1x128xi32, #tpu.memory_space<vmem>> -> memref<128xi32, #tpu.memory_space<vmem>>
        %dma_start3A_934 = arith.constant 0 : i32
        %dma_start3A_935 = arith.constant 0 : i32
        %dma_start3A_936 = tpu.memref_slice %arg3[%dma_start3A_934, %dma_start3A_935] : memref<1000000x32xf32, #tpu.memory_space<hbm>> -> memref<1000000x32xf32, #tpu.memory_space<hbm>>
        tpu.enqueue_indirect_dma source(%dma_start3A_936 : memref<1000000x32xf32, #tpu.memory_space<hbm>>) target(%dma_start3A_930 : memref<128x32xf32, #tpu.memory_space<vmem>>) offsets(%dma_start3A_933 : memref<128xi32, #tpu.memory_space<vmem>>) semaphore(%arg7 : memref<!tpu.dma_semaphore, #tpu.memory_space<semaphore_mem>>)
      } else {
      }
      %add3A_627 = arith.constant 1 : i32
      %add3A_628 = arith.addi %mul3A_296, %add3A_627 : i32
      %mul3A_629 = arith.constant 8 : i32
      %mul3A_630 = arith.muli %add3A_628, %mul3A_629 : i32
      %add3A_631 = arith.constant 0 : i32
      %add3A_632 = arith.addi %mul3A_630, %add3A_631 : i32
      %dma_wait3A_633 = arith.constant 1 : i32
      %dma_wait3A_634 = arith.constant 0 : i32
      %dma_wait3A_635 = arith.constant 0 : i32
      %dma_wait3A_636 = tpu.memref_slice %arg6[%dma_wait3A_633, %dma_wait3A_634, %dma_wait3A_635] : memref<2x1024x32xf32, #tpu.memory_space<vmem>> -> memref<1x1024x32xf32, #tpu.memory_space<vmem>>
      %dma_wait3A_637 = tpu.memref_squeeze %dma_wait3A_636 : memref<1x1024x32xf32, #tpu.memory_space<vmem>> -> memref<1024x32xf32, #tpu.memory_space<vmem>>
      %dma_wait3A_638 = arith.constant 0 : i32
      %dma_wait3A_639 = arith.constant 0 : i32
      %dma_wait3A_640 = tpu.memref_slice %dma_wait3A_637[%dma_wait3A_638, %dma_wait3A_639] : memref<1024x32xf32, #tpu.memory_space<vmem>> -> memref<128x32xf32, #tpu.memory_space<vmem>>
      %dma_wait3A_641 = arith.constant 0 : i32
      %dma_wait3A_642 = tpu.memref_slice %arg5[%add3A_632, %dma_wait3A_641] : memref<104x128xi32, #tpu.memory_space<vmem>> -> memref<1x128xi32, #tpu.memory_space<vmem>>
      %dma_wait3A_643 = tpu.memref_squeeze %dma_wait3A_642 : memref<1x128xi32, #tpu.memory_space<vmem>> -> memref<128xi32, #tpu.memory_space<vmem>>
      %dma_wait3A_644 = arith.constant 0 : i32
      %dma_wait3A_645 = arith.constant 0 : i32
      %dma_wait3A_646 = tpu.memref_slice %arg3[%dma_wait3A_644, %dma_wait3A_645] : memref<1000000x32xf32, #tpu.memory_space<hbm>> -> memref<1000000x32xf32, #tpu.memory_space<hbm>>
      tpu.wait_indirect_dma semaphore(%arg8 : memref<!tpu.dma_semaphore, #tpu.memory_space<semaphore_mem>>) src(%dma_wait3A_646 : memref<1000000x32xf32, #tpu.memory_space<hbm>>) dst(%dma_wait3A_640 : memref<128x32xf32, #tpu.memory_space<vmem>>)
      %mul3A_647 = arith.constant 8 : i32
      %mul3A_648 = arith.muli %add3A_628, %mul3A_647 : i32
      %add3A_649 = arith.constant 1 : i32
      %add3A_650 = arith.addi %mul3A_648, %add3A_649 : i32
      %dma_wait3A_651 = arith.constant 1 : i32
      %dma_wait3A_652 = arith.constant 0 : i32
      %dma_wait3A_653 = arith.constant 0 : i32
      %dma_wait3A_654 = tpu.memref_slice %arg6[%dma_wait3A_651, %dma_wait3A_652, %dma_wait3A_653] : memref<2x1024x32xf32, #tpu.memory_space<vmem>> -> memref<1x1024x32xf32, #tpu.memory_space<vmem>>
      %dma_wait3A_655 = tpu.memref_squeeze %dma_wait3A_654 : memref<1x1024x32xf32, #tpu.memory_space<vmem>> -> memref<1024x32xf32, #tpu.memory_space<vmem>>
      %dma_wait3A_656 = arith.constant 128 : i32
      %dma_wait3A_657 = arith.constant 0 : i32
      %dma_wait3A_658 = tpu.memref_slice %dma_wait3A_655[%dma_wait3A_656, %dma_wait3A_657] : memref<1024x32xf32, #tpu.memory_space<vmem>> -> memref<128x32xf32, #tpu.memory_space<vmem>>
      %dma_wait3A_659 = arith.constant 0 : i32
      %dma_wait3A_660 = tpu.memref_slice %arg5[%add3A_650, %dma_wait3A_659] : memref<104x128xi32, #tpu.memory_space<vmem>> -> memref<1x128xi32, #tpu.memory_space<vmem>>
      %dma_wait3A_661 = tpu.memref_squeeze %dma_wait3A_660 : memref<1x128xi32, #tpu.memory_space<vmem>> -> memref<128xi32, #tpu.memory_space<vmem>>
      %dma_wait3A_662 = arith.constant 0 : i32
      %dma_wait3A_663 = arith.constant 0 : i32
      %dma_wait3A_664 = tpu.memref_slice %arg3[%dma_wait3A_662, %dma_wait3A_663] : memref<1000000x32xf32, #tpu.memory_space<hbm>> -> memref<1000000x32xf32, #tpu.memory_space<hbm>>
      tpu.wait_indirect_dma semaphore(%arg8 : memref<!tpu.dma_semaphore, #tpu.memory_space<semaphore_mem>>) src(%dma_wait3A_664 : memref<1000000x32xf32, #tpu.memory_space<hbm>>) dst(%dma_wait3A_658 : memref<128x32xf32, #tpu.memory_space<vmem>>)
      %mul3A_665 = arith.constant 8 : i32
      %mul3A_666 = arith.muli %add3A_628, %mul3A_665 : i32
      %add3A_667 = arith.constant 2 : i32
      %add3A_668 = arith.addi %mul3A_666, %add3A_667 : i32
      %dma_wait3A_669 = arith.constant 1 : i32
      %dma_wait3A_670 = arith.constant 0 : i32
      %dma_wait3A_671 = arith.constant 0 : i32
      %dma_wait3A_672 = tpu.memref_slice %arg6[%dma_wait3A_669, %dma_wait3A_670, %dma_wait3A_671] : memref<2x1024x32xf32, #tpu.memory_space<vmem>> -> memref<1x1024x32xf32, #tpu.memory_space<vmem>>
      %dma_wait3A_673 = tpu.memref_squeeze %dma_wait3A_672 : memref<1x1024x32xf32, #tpu.memory_space<vmem>> -> memref<1024x32xf32, #tpu.memory_space<vmem>>
      %dma_wait3A_674 = arith.constant 256 : i32
      %dma_wait3A_675 = arith.constant 0 : i32
      %dma_wait3A_676 = tpu.memref_slice %dma_wait3A_673[%dma_wait3A_674, %dma_wait3A_675] : memref<1024x32xf32, #tpu.memory_space<vmem>> -> memref<128x32xf32, #tpu.memory_space<vmem>>
      %dma_wait3A_677 = arith.constant 0 : i32
      %dma_wait3A_678 = tpu.memref_slice %arg5[%add3A_668, %dma_wait3A_677] : memref<104x128xi32, #tpu.memory_space<vmem>> -> memref<1x128xi32, #tpu.memory_space<vmem>>
      %dma_wait3A_679 = tpu.memref_squeeze %dma_wait3A_678 : memref<1x128xi32, #tpu.memory_space<vmem>> -> memref<128xi32, #tpu.memory_space<vmem>>
      %dma_wait3A_680 = arith.constant 0 : i32
      %dma_wait3A_681 = arith.constant 0 : i32
      %dma_wait3A_682 = tpu.memref_slice %arg3[%dma_wait3A_680, %dma_wait3A_681] : memref<1000000x32xf32, #tpu.memory_space<hbm>> -> memref<1000000x32xf32, #tpu.memory_space<hbm>>
      tpu.wait_indirect_dma semaphore(%arg8 : memref<!tpu.dma_semaphore, #tpu.memory_space<semaphore_mem>>) src(%dma_wait3A_682 : memref<1000000x32xf32, #tpu.memory_space<hbm>>) dst(%dma_wait3A_676 : memref<128x32xf32, #tpu.memory_space<vmem>>)
      %mul3A_683 = arith.constant 8 : i32
      %mul3A_684 = arith.muli %add3A_628, %mul3A_683 : i32
      %add3A_685 = arith.constant 3 : i32
      %add3A_686 = arith.addi %mul3A_684, %add3A_685 : i32
      %dma_wait3A_687 = arith.constant 1 : i32
      %dma_wait3A_688 = arith.constant 0 : i32
      %dma_wait3A_689 = arith.constant 0 : i32
      %dma_wait3A_690 = tpu.memref_slice %arg6[%dma_wait3A_687, %dma_wait3A_688, %dma_wait3A_689] : memref<2x1024x32xf32, #tpu.memory_space<vmem>> -> memref<1x1024x32xf32, #tpu.memory_space<vmem>>
      %dma_wait3A_691 = tpu.memref_squeeze %dma_wait3A_690 : memref<1x1024x32xf32, #tpu.memory_space<vmem>> -> memref<1024x32xf32, #tpu.memory_space<vmem>>
      %dma_wait3A_692 = arith.constant 384 : i32
      %dma_wait3A_693 = arith.constant 0 : i32
      %dma_wait3A_694 = tpu.memref_slice %dma_wait3A_691[%dma_wait3A_692, %dma_wait3A_693] : memref<1024x32xf32, #tpu.memory_space<vmem>> -> memref<128x32xf32, #tpu.memory_space<vmem>>
      %dma_wait3A_695 = arith.constant 0 : i32
      %dma_wait3A_696 = tpu.memref_slice %arg5[%add3A_686, %dma_wait3A_695] : memref<104x128xi32, #tpu.memory_space<vmem>> -> memref<1x128xi32, #tpu.memory_space<vmem>>
      %dma_wait3A_697 = tpu.memref_squeeze %dma_wait3A_696 : memref<1x128xi32, #tpu.memory_space<vmem>> -> memref<128xi32, #tpu.memory_space<vmem>>
      %dma_wait3A_698 = arith.constant 0 : i32
      %dma_wait3A_699 = arith.constant 0 : i32
      %dma_wait3A_700 = tpu.memref_slice %arg3[%dma_wait3A_698, %dma_wait3A_699] : memref<1000000x32xf32, #tpu.memory_space<hbm>> -> memref<1000000x32xf32, #tpu.memory_space<hbm>>
      tpu.wait_indirect_dma semaphore(%arg8 : memref<!tpu.dma_semaphore, #tpu.memory_space<semaphore_mem>>) src(%dma_wait3A_700 : memref<1000000x32xf32, #tpu.memory_space<hbm>>) dst(%dma_wait3A_694 : memref<128x32xf32, #tpu.memory_space<vmem>>)
      %mul3A_701 = arith.constant 8 : i32
      %mul3A_702 = arith.muli %add3A_628, %mul3A_701 : i32
      %add3A_703 = arith.constant 4 : i32
      %add3A_704 = arith.addi %mul3A_702, %add3A_703 : i32
      %dma_wait3A_705 = arith.constant 1 : i32
      %dma_wait3A_706 = arith.constant 0 : i32
      %dma_wait3A_707 = arith.constant 0 : i32
      %dma_wait3A_708 = tpu.memref_slice %arg6[%dma_wait3A_705, %dma_wait3A_706, %dma_wait3A_707] : memref<2x1024x32xf32, #tpu.memory_space<vmem>> -> memref<1x1024x32xf32, #tpu.memory_space<vmem>>
      %dma_wait3A_709 = tpu.memref_squeeze %dma_wait3A_708 : memref<1x1024x32xf32, #tpu.memory_space<vmem>> -> memref<1024x32xf32, #tpu.memory_space<vmem>>
      %dma_wait3A_710 = arith.constant 512 : i32
      %dma_wait3A_711 = arith.constant 0 : i32
      %dma_wait3A_712 = tpu.memref_slice %dma_wait3A_709[%dma_wait3A_710, %dma_wait3A_711] : memref<1024x32xf32, #tpu.memory_space<vmem>> -> memref<128x32xf32, #tpu.memory_space<vmem>>
      %dma_wait3A_713 = arith.constant 0 : i32
      %dma_wait3A_714 = tpu.memref_slice %arg5[%add3A_704, %dma_wait3A_713] : memref<104x128xi32, #tpu.memory_space<vmem>> -> memref<1x128xi32, #tpu.memory_space<vmem>>
      %dma_wait3A_715 = tpu.memref_squeeze %dma_wait3A_714 : memref<1x128xi32, #tpu.memory_space<vmem>> -> memref<128xi32, #tpu.memory_space<vmem>>
      %dma_wait3A_716 = arith.constant 0 : i32
      %dma_wait3A_717 = arith.constant 0 : i32
      %dma_wait3A_718 = tpu.memref_slice %arg3[%dma_wait3A_716, %dma_wait3A_717] : memref<1000000x32xf32, #tpu.memory_space<hbm>> -> memref<1000000x32xf32, #tpu.memory_space<hbm>>
      tpu.wait_indirect_dma semaphore(%arg8 : memref<!tpu.dma_semaphore, #tpu.memory_space<semaphore_mem>>) src(%dma_wait3A_718 : memref<1000000x32xf32, #tpu.memory_space<hbm>>) dst(%dma_wait3A_712 : memref<128x32xf32, #tpu.memory_space<vmem>>)
      %mul3A_719 = arith.constant 8 : i32
      %mul3A_720 = arith.muli %add3A_628, %mul3A_719 : i32
      %add3A_721 = arith.constant 5 : i32
      %add3A_722 = arith.addi %mul3A_720, %add3A_721 : i32
      %dma_wait3A_723 = arith.constant 1 : i32
      %dma_wait3A_724 = arith.constant 0 : i32
      %dma_wait3A_725 = arith.constant 0 : i32
      %dma_wait3A_726 = tpu.memref_slice %arg6[%dma_wait3A_723, %dma_wait3A_724, %dma_wait3A_725] : memref<2x1024x32xf32, #tpu.memory_space<vmem>> -> memref<1x1024x32xf32, #tpu.memory_space<vmem>>
      %dma_wait3A_727 = tpu.memref_squeeze %dma_wait3A_726 : memref<1x1024x32xf32, #tpu.memory_space<vmem>> -> memref<1024x32xf32, #tpu.memory_space<vmem>>
      %dma_wait3A_728 = arith.constant 640 : i32
      %dma_wait3A_729 = arith.constant 0 : i32
      %dma_wait3A_730 = tpu.memref_slice %dma_wait3A_727[%dma_wait3A_728, %dma_wait3A_729] : memref<1024x32xf32, #tpu.memory_space<vmem>> -> memref<128x32xf32, #tpu.memory_space<vmem>>
      %dma_wait3A_731 = arith.constant 0 : i32
      %dma_wait3A_732 = tpu.memref_slice %arg5[%add3A_722, %dma_wait3A_731] : memref<104x128xi32, #tpu.memory_space<vmem>> -> memref<1x128xi32, #tpu.memory_space<vmem>>
      %dma_wait3A_733 = tpu.memref_squeeze %dma_wait3A_732 : memref<1x128xi32, #tpu.memory_space<vmem>> -> memref<128xi32, #tpu.memory_space<vmem>>
      %dma_wait3A_734 = arith.constant 0 : i32
      %dma_wait3A_735 = arith.constant 0 : i32
      %dma_wait3A_736 = tpu.memref_slice %arg3[%dma_wait3A_734, %dma_wait3A_735] : memref<1000000x32xf32, #tpu.memory_space<hbm>> -> memref<1000000x32xf32, #tpu.memory_space<hbm>>
      tpu.wait_indirect_dma semaphore(%arg8 : memref<!tpu.dma_semaphore, #tpu.memory_space<semaphore_mem>>) src(%dma_wait3A_736 : memref<1000000x32xf32, #tpu.memory_space<hbm>>) dst(%dma_wait3A_730 : memref<128x32xf32, #tpu.memory_space<vmem>>)
      %mul3A_737 = arith.constant 8 : i32
      %mul3A_738 = arith.muli %add3A_628, %mul3A_737 : i32
      %add3A_739 = arith.constant 6 : i32
      %add3A_740 = arith.addi %mul3A_738, %add3A_739 : i32
      %dma_wait3A_741 = arith.constant 1 : i32
      %dma_wait3A_742 = arith.constant 0 : i32
      %dma_wait3A_743 = arith.constant 0 : i32
      %dma_wait3A_744 = tpu.memref_slice %arg6[%dma_wait3A_741, %dma_wait3A_742, %dma_wait3A_743] : memref<2x1024x32xf32, #tpu.memory_space<vmem>> -> memref<1x1024x32xf32, #tpu.memory_space<vmem>>
      %dma_wait3A_745 = tpu.memref_squeeze %dma_wait3A_744 : memref<1x1024x32xf32, #tpu.memory_space<vmem>> -> memref<1024x32xf32, #tpu.memory_space<vmem>>
      %dma_wait3A_746 = arith.constant 768 : i32
      %dma_wait3A_747 = arith.constant 0 : i32
      %dma_wait3A_748 = tpu.memref_slice %dma_wait3A_745[%dma_wait3A_746, %dma_wait3A_747] : memref<1024x32xf32, #tpu.memory_space<vmem>> -> memref<128x32xf32, #tpu.memory_space<vmem>>
      %dma_wait3A_749 = arith.constant 0 : i32
      %dma_wait3A_750 = tpu.memref_slice %arg5[%add3A_740, %dma_wait3A_749] : memref<104x128xi32, #tpu.memory_space<vmem>> -> memref<1x128xi32, #tpu.memory_space<vmem>>
      %dma_wait3A_751 = tpu.memref_squeeze %dma_wait3A_750 : memref<1x128xi32, #tpu.memory_space<vmem>> -> memref<128xi32, #tpu.memory_space<vmem>>
      %dma_wait3A_752 = arith.constant 0 : i32
      %dma_wait3A_753 = arith.constant 0 : i32
      %dma_wait3A_754 = tpu.memref_slice %arg3[%dma_wait3A_752, %dma_wait3A_753] : memref<1000000x32xf32, #tpu.memory_space<hbm>> -> memref<1000000x32xf32, #tpu.memory_space<hbm>>
      tpu.wait_indirect_dma semaphore(%arg8 : memref<!tpu.dma_semaphore, #tpu.memory_space<semaphore_mem>>) src(%dma_wait3A_754 : memref<1000000x32xf32, #tpu.memory_space<hbm>>) dst(%dma_wait3A_748 : memref<128x32xf32, #tpu.memory_space<vmem>>)
      %mul3A_755 = arith.constant 8 : i32
      %mul3A_756 = arith.muli %add3A_628, %mul3A_755 : i32
      %add3A_757 = arith.constant 7 : i32
      %add3A_758 = arith.addi %mul3A_756, %add3A_757 : i32
      %dma_wait3A_759 = arith.constant 1 : i32
      %dma_wait3A_760 = arith.constant 0 : i32
      %dma_wait3A_761 = arith.constant 0 : i32
      %dma_wait3A_762 = tpu.memref_slice %arg6[%dma_wait3A_759, %dma_wait3A_760, %dma_wait3A_761] : memref<2x1024x32xf32, #tpu.memory_space<vmem>> -> memref<1x1024x32xf32, #tpu.memory_space<vmem>>
      %dma_wait3A_763 = tpu.memref_squeeze %dma_wait3A_762 : memref<1x1024x32xf32, #tpu.memory_space<vmem>> -> memref<1024x32xf32, #tpu.memory_space<vmem>>
      %dma_wait3A_764 = arith.constant 896 : i32
      %dma_wait3A_765 = arith.constant 0 : i32
      %dma_wait3A_766 = tpu.memref_slice %dma_wait3A_763[%dma_wait3A_764, %dma_wait3A_765] : memref<1024x32xf32, #tpu.memory_space<vmem>> -> memref<128x32xf32, #tpu.memory_space<vmem>>
      %dma_wait3A_767 = arith.constant 0 : i32
      %dma_wait3A_768 = tpu.memref_slice %arg5[%add3A_758, %dma_wait3A_767] : memref<104x128xi32, #tpu.memory_space<vmem>> -> memref<1x128xi32, #tpu.memory_space<vmem>>
      %dma_wait3A_769 = tpu.memref_squeeze %dma_wait3A_768 : memref<1x128xi32, #tpu.memory_space<vmem>> -> memref<128xi32, #tpu.memory_space<vmem>>
      %dma_wait3A_770 = arith.constant 0 : i32
      %dma_wait3A_771 = arith.constant 0 : i32
      %dma_wait3A_772 = tpu.memref_slice %arg3[%dma_wait3A_770, %dma_wait3A_771] : memref<1000000x32xf32, #tpu.memory_space<hbm>> -> memref<1000000x32xf32, #tpu.memory_space<hbm>>
      tpu.wait_indirect_dma semaphore(%arg8 : memref<!tpu.dma_semaphore, #tpu.memory_space<semaphore_mem>>) src(%dma_wait3A_772 : memref<1000000x32xf32, #tpu.memory_space<hbm>>) dst(%dma_wait3A_766 : memref<128x32xf32, #tpu.memory_space<vmem>>)
      %add3A_773 = arith.constant 1 : i32
      %add3A_774 = arith.addi %mul3A_296, %add3A_773 : i32
      %mul3A_775 = arith.constant 1024 : i32
      %mul3A_776 = arith.muli %add3A_774, %mul3A_775 : i32
      %add3A_777 = arith.addi %mul3A_2, %mul3A_776 : i32
      %dma_start3A_778 = arith.constant 1 : i32
      %dma_start3A_779 = arith.constant 0 : i32
      %dma_start3A_780 = arith.constant 0 : i32
      %dma_start3A_781 = tpu.memref_slice %arg6[%dma_start3A_778, %dma_start3A_779, %dma_start3A_780] : memref<2x1024x32xf32, #tpu.memory_space<vmem>> -> memref<1x1024x32xf32, #tpu.memory_space<vmem>>
      %dma_start3A_782 = tpu.memref_squeeze %dma_start3A_781 : memref<1x1024x32xf32, #tpu.memory_space<vmem>> -> memref<1024x32xf32, #tpu.memory_space<vmem>>
      %dma_start3A_783 = arith.constant 0 : i32
      %dma_start3A_784 = tpu.memref_slice %arg4[%add3A_777, %dma_start3A_783] : memref<425984x32xf32, #tpu.memory_space<hbm>> -> memref<1024x32xf32, #tpu.memory_space<hbm>>
      %dma_start3A_785 = arith.constant 0 : i32
      %dma_start3A_786 = tpu.memref_slice %arg4[%add3A_777, %dma_start3A_785] : memref<425984x32xf32, #tpu.memory_space<hbm>> -> memref<1024x32xf32, #tpu.memory_space<hbm>>
      %dma_start3A_787 = arith.constant 0 : i32
      %dma_start3A_788 = arith.constant 0 : i32
      %dma_start3A_789 = tpu.memref_slice %arg6[%dma_start3A_778, %dma_start3A_787, %dma_start3A_788] : memref<2x1024x32xf32, #tpu.memory_space<vmem>> -> memref<1x1024x32xf32, #tpu.memory_space<vmem>>
      %dma_start3A_790 = tpu.memref_squeeze %dma_start3A_789 : memref<1x1024x32xf32, #tpu.memory_space<vmem>> -> memref<1024x32xf32, #tpu.memory_space<vmem>>
      tpu.enqueue_dma source(%dma_start3A_790 : memref<1024x32xf32, #tpu.memory_space<vmem>>) target(%dma_start3A_786 : memref<1024x32xf32, #tpu.memory_space<hbm>>) target_semaphore(%arg10 : memref<!tpu.dma_semaphore, #tpu.memory_space<semaphore_mem>>)
    }
    %scan3A_125 = arith.constant 6 : i32
    %add3A_126 = arith.constant 11264 : i32
    %add3A_127 = arith.addi %mul3A_2, %add3A_126 : i32
    %dma_wait3A = arith.constant 1 : i32
    %dma_wait3A_128 = arith.constant 0 : i32
    %dma_wait3A_129 = arith.constant 0 : i32
    %dma_wait3A_130 = tpu.memref_slice %arg6[%dma_wait3A, %dma_wait3A_128, %dma_wait3A_129] : memref<2x1024x32xf32, #tpu.memory_space<vmem>> -> memref<1x1024x32xf32, #tpu.memory_space<vmem>>
    %dma_wait3A_131 = tpu.memref_squeeze %dma_wait3A_130 : memref<1x1024x32xf32, #tpu.memory_space<vmem>> -> memref<1024x32xf32, #tpu.memory_space<vmem>>
    %dma_wait3A_132 = arith.constant 0 : i32
    %dma_wait3A_133 = tpu.memref_slice %arg4[%add3A_127, %dma_wait3A_132] : memref<425984x32xf32, #tpu.memory_space<hbm>> -> memref<1024x32xf32, #tpu.memory_space<hbm>>
    %dma_wait3A_134 = arith.constant 0 : i32
    %dma_wait3A_135 = tpu.memref_slice %arg4[%add3A_127, %dma_wait3A_134] : memref<425984x32xf32, #tpu.memory_space<hbm>> -> memref<1024x32xf32, #tpu.memory_space<hbm>>
    %dma_wait3A_136 = arith.constant 0 : i32
    %dma_wait3A_137 = arith.constant 0 : i32
    %dma_wait3A_138 = tpu.memref_slice %arg6[%dma_wait3A, %dma_wait3A_136, %dma_wait3A_137] : memref<2x1024x32xf32, #tpu.memory_space<vmem>> -> memref<1x1024x32xf32, #tpu.memory_space<vmem>>
    %dma_wait3A_139 = tpu.memref_squeeze %dma_wait3A_138 : memref<1x1024x32xf32, #tpu.memory_space<vmem>> -> memref<1024x32xf32, #tpu.memory_space<vmem>>
    tpu.wait_dma2 semaphore(%arg10 : memref<!tpu.dma_semaphore, #tpu.memory_space<semaphore_mem>>) src(%dma_wait3A_139 : memref<1024x32xf32, #tpu.memory_space<vmem>>) dst(%dma_wait3A_135 : memref<1024x32xf32, #tpu.memory_space<hbm>>)
    %dma_wait3A_140 = arith.constant 96 : i32
    %dma_wait3A_141 = arith.constant 0 : i32
    %dma_wait3A_142 = arith.constant 0 : i32
    %dma_wait3A_143 = arith.constant 0 : i32
    %dma_wait3A_144 = tpu.memref_slice %arg6[%dma_wait3A_141, %dma_wait3A_142, %dma_wait3A_143] : memref<2x1024x32xf32, #tpu.memory_space<vmem>> -> memref<1x1024x32xf32, #tpu.memory_space<vmem>>
    %dma_wait3A_145 = tpu.memref_squeeze %dma_wait3A_144 : memref<1x1024x32xf32, #tpu.memory_space<vmem>> -> memref<1024x32xf32, #tpu.memory_space<vmem>>
    %dma_wait3A_146 = arith.constant 0 : i32
    %dma_wait3A_147 = arith.constant 0 : i32
    %dma_wait3A_148 = tpu.memref_slice %dma_wait3A_145[%dma_wait3A_146, %dma_wait3A_147] : memref<1024x32xf32, #tpu.memory_space<vmem>> -> memref<128x32xf32, #tpu.memory_space<vmem>>
    %dma_wait3A_149 = arith.constant 0 : i32
    %dma_wait3A_150 = tpu.memref_slice %arg5[%dma_wait3A_140, %dma_wait3A_149] : memref<104x128xi32, #tpu.memory_space<vmem>> -> memref<1x128xi32, #tpu.memory_space<vmem>>
    %dma_wait3A_151 = tpu.memref_squeeze %dma_wait3A_150 : memref<1x128xi32, #tpu.memory_space<vmem>> -> memref<128xi32, #tpu.memory_space<vmem>>
    %dma_wait3A_152 = arith.constant 0 : i32
    %dma_wait3A_153 = arith.constant 0 : i32
    %dma_wait3A_154 = tpu.memref_slice %arg3[%dma_wait3A_152, %dma_wait3A_153] : memref<1000000x32xf32, #tpu.memory_space<hbm>> -> memref<1000000x32xf32, #tpu.memory_space<hbm>>
    tpu.wait_indirect_dma semaphore(%arg7 : memref<!tpu.dma_semaphore, #tpu.memory_space<semaphore_mem>>) src(%dma_wait3A_154 : memref<1000000x32xf32, #tpu.memory_space<hbm>>) dst(%dma_wait3A_148 : memref<128x32xf32, #tpu.memory_space<vmem>>)
    %dma_wait3A_155 = arith.constant 97 : i32
    %dma_wait3A_156 = arith.constant 0 : i32
    %dma_wait3A_157 = arith.constant 0 : i32
    %dma_wait3A_158 = arith.constant 0 : i32
    %dma_wait3A_159 = tpu.memref_slice %arg6[%dma_wait3A_156, %dma_wait3A_157, %dma_wait3A_158] : memref<2x1024x32xf32, #tpu.memory_space<vmem>> -> memref<1x1024x32xf32, #tpu.memory_space<vmem>>
    %dma_wait3A_160 = tpu.memref_squeeze %dma_wait3A_159 : memref<1x1024x32xf32, #tpu.memory_space<vmem>> -> memref<1024x32xf32, #tpu.memory_space<vmem>>
    %dma_wait3A_161 = arith.constant 128 : i32
    %dma_wait3A_162 = arith.constant 0 : i32
    %dma_wait3A_163 = tpu.memref_slice %dma_wait3A_160[%dma_wait3A_161, %dma_wait3A_162] : memref<1024x32xf32, #tpu.memory_space<vmem>> -> memref<128x32xf32, #tpu.memory_space<vmem>>
    %dma_wait3A_164 = arith.constant 0 : i32
    %dma_wait3A_165 = tpu.memref_slice %arg5[%dma_wait3A_155, %dma_wait3A_164] : memref<104x128xi32, #tpu.memory_space<vmem>> -> memref<1x128xi32, #tpu.memory_space<vmem>>
    %dma_wait3A_166 = tpu.memref_squeeze %dma_wait3A_165 : memref<1x128xi32, #tpu.memory_space<vmem>> -> memref<128xi32, #tpu.memory_space<vmem>>
    %dma_wait3A_167 = arith.constant 0 : i32
    %dma_wait3A_168 = arith.constant 0 : i32
    %dma_wait3A_169 = tpu.memref_slice %arg3[%dma_wait3A_167, %dma_wait3A_168] : memref<1000000x32xf32, #tpu.memory_space<hbm>> -> memref<1000000x32xf32, #tpu.memory_space<hbm>>
    tpu.wait_indirect_dma semaphore(%arg7 : memref<!tpu.dma_semaphore, #tpu.memory_space<semaphore_mem>>) src(%dma_wait3A_169 : memref<1000000x32xf32, #tpu.memory_space<hbm>>) dst(%dma_wait3A_163 : memref<128x32xf32, #tpu.memory_space<vmem>>)
    %dma_wait3A_170 = arith.constant 98 : i32
    %dma_wait3A_171 = arith.constant 0 : i32
    %dma_wait3A_172 = arith.constant 0 : i32
    %dma_wait3A_173 = arith.constant 0 : i32
    %dma_wait3A_174 = tpu.memref_slice %arg6[%dma_wait3A_171, %dma_wait3A_172, %dma_wait3A_173] : memref<2x1024x32xf32, #tpu.memory_space<vmem>> -> memref<1x1024x32xf32, #tpu.memory_space<vmem>>
    %dma_wait3A_175 = tpu.memref_squeeze %dma_wait3A_174 : memref<1x1024x32xf32, #tpu.memory_space<vmem>> -> memref<1024x32xf32, #tpu.memory_space<vmem>>
    %dma_wait3A_176 = arith.constant 256 : i32
    %dma_wait3A_177 = arith.constant 0 : i32
    %dma_wait3A_178 = tpu.memref_slice %dma_wait3A_175[%dma_wait3A_176, %dma_wait3A_177] : memref<1024x32xf32, #tpu.memory_space<vmem>> -> memref<128x32xf32, #tpu.memory_space<vmem>>
    %dma_wait3A_179 = arith.constant 0 : i32
    %dma_wait3A_180 = tpu.memref_slice %arg5[%dma_wait3A_170, %dma_wait3A_179] : memref<104x128xi32, #tpu.memory_space<vmem>> -> memref<1x128xi32, #tpu.memory_space<vmem>>
    %dma_wait3A_181 = tpu.memref_squeeze %dma_wait3A_180 : memref<1x128xi32, #tpu.memory_space<vmem>> -> memref<128xi32, #tpu.memory_space<vmem>>
    %dma_wait3A_182 = arith.constant 0 : i32
    %dma_wait3A_183 = arith.constant 0 : i32
    %dma_wait3A_184 = tpu.memref_slice %arg3[%dma_wait3A_182, %dma_wait3A_183] : memref<1000000x32xf32, #tpu.memory_space<hbm>> -> memref<1000000x32xf32, #tpu.memory_space<hbm>>
    tpu.wait_indirect_dma semaphore(%arg7 : memref<!tpu.dma_semaphore, #tpu.memory_space<semaphore_mem>>) src(%dma_wait3A_184 : memref<1000000x32xf32, #tpu.memory_space<hbm>>) dst(%dma_wait3A_178 : memref<128x32xf32, #tpu.memory_space<vmem>>)
    %dma_wait3A_185 = arith.constant 99 : i32
    %dma_wait3A_186 = arith.constant 0 : i32
    %dma_wait3A_187 = arith.constant 0 : i32
    %dma_wait3A_188 = arith.constant 0 : i32
    %dma_wait3A_189 = tpu.memref_slice %arg6[%dma_wait3A_186, %dma_wait3A_187, %dma_wait3A_188] : memref<2x1024x32xf32, #tpu.memory_space<vmem>> -> memref<1x1024x32xf32, #tpu.memory_space<vmem>>
    %dma_wait3A_190 = tpu.memref_squeeze %dma_wait3A_189 : memref<1x1024x32xf32, #tpu.memory_space<vmem>> -> memref<1024x32xf32, #tpu.memory_space<vmem>>
    %dma_wait3A_191 = arith.constant 384 : i32
    %dma_wait3A_192 = arith.constant 0 : i32
    %dma_wait3A_193 = tpu.memref_slice %dma_wait3A_190[%dma_wait3A_191, %dma_wait3A_192] : memref<1024x32xf32, #tpu.memory_space<vmem>> -> memref<128x32xf32, #tpu.memory_space<vmem>>
    %dma_wait3A_194 = arith.constant 0 : i32
    %dma_wait3A_195 = tpu.memref_slice %arg5[%dma_wait3A_185, %dma_wait3A_194] : memref<104x128xi32, #tpu.memory_space<vmem>> -> memref<1x128xi32, #tpu.memory_space<vmem>>
    %dma_wait3A_196 = tpu.memref_squeeze %dma_wait3A_195 : memref<1x128xi32, #tpu.memory_space<vmem>> -> memref<128xi32, #tpu.memory_space<vmem>>
    %dma_wait3A_197 = arith.constant 0 : i32
    %dma_wait3A_198 = arith.constant 0 : i32
    %dma_wait3A_199 = tpu.memref_slice %arg3[%dma_wait3A_197, %dma_wait3A_198] : memref<1000000x32xf32, #tpu.memory_space<hbm>> -> memref<1000000x32xf32, #tpu.memory_space<hbm>>
    tpu.wait_indirect_dma semaphore(%arg7 : memref<!tpu.dma_semaphore, #tpu.memory_space<semaphore_mem>>) src(%dma_wait3A_199 : memref<1000000x32xf32, #tpu.memory_space<hbm>>) dst(%dma_wait3A_193 : memref<128x32xf32, #tpu.memory_space<vmem>>)
    %dma_wait3A_200 = arith.constant 100 : i32
    %dma_wait3A_201 = arith.constant 0 : i32
    %dma_wait3A_202 = arith.constant 0 : i32
    %dma_wait3A_203 = arith.constant 0 : i32
    %dma_wait3A_204 = tpu.memref_slice %arg6[%dma_wait3A_201, %dma_wait3A_202, %dma_wait3A_203] : memref<2x1024x32xf32, #tpu.memory_space<vmem>> -> memref<1x1024x32xf32, #tpu.memory_space<vmem>>
    %dma_wait3A_205 = tpu.memref_squeeze %dma_wait3A_204 : memref<1x1024x32xf32, #tpu.memory_space<vmem>> -> memref<1024x32xf32, #tpu.memory_space<vmem>>
    %dma_wait3A_206 = arith.constant 512 : i32
    %dma_wait3A_207 = arith.constant 0 : i32
    %dma_wait3A_208 = tpu.memref_slice %dma_wait3A_205[%dma_wait3A_206, %dma_wait3A_207] : memref<1024x32xf32, #tpu.memory_space<vmem>> -> memref<128x32xf32, #tpu.memory_space<vmem>>
    %dma_wait3A_209 = arith.constant 0 : i32
    %dma_wait3A_210 = tpu.memref_slice %arg5[%dma_wait3A_200, %dma_wait3A_209] : memref<104x128xi32, #tpu.memory_space<vmem>> -> memref<1x128xi32, #tpu.memory_space<vmem>>
    %dma_wait3A_211 = tpu.memref_squeeze %dma_wait3A_210 : memref<1x128xi32, #tpu.memory_space<vmem>> -> memref<128xi32, #tpu.memory_space<vmem>>
    %dma_wait3A_212 = arith.constant 0 : i32
    %dma_wait3A_213 = arith.constant 0 : i32
    %dma_wait3A_214 = tpu.memref_slice %arg3[%dma_wait3A_212, %dma_wait3A_213] : memref<1000000x32xf32, #tpu.memory_space<hbm>> -> memref<1000000x32xf32, #tpu.memory_space<hbm>>
    tpu.wait_indirect_dma semaphore(%arg7 : memref<!tpu.dma_semaphore, #tpu.memory_space<semaphore_mem>>) src(%dma_wait3A_214 : memref<1000000x32xf32, #tpu.memory_space<hbm>>) dst(%dma_wait3A_208 : memref<128x32xf32, #tpu.memory_space<vmem>>)
    %dma_wait3A_215 = arith.constant 101 : i32
    %dma_wait3A_216 = arith.constant 0 : i32
    %dma_wait3A_217 = arith.constant 0 : i32
    %dma_wait3A_218 = arith.constant 0 : i32
    %dma_wait3A_219 = tpu.memref_slice %arg6[%dma_wait3A_216, %dma_wait3A_217, %dma_wait3A_218] : memref<2x1024x32xf32, #tpu.memory_space<vmem>> -> memref<1x1024x32xf32, #tpu.memory_space<vmem>>
    %dma_wait3A_220 = tpu.memref_squeeze %dma_wait3A_219 : memref<1x1024x32xf32, #tpu.memory_space<vmem>> -> memref<1024x32xf32, #tpu.memory_space<vmem>>
    %dma_wait3A_221 = arith.constant 640 : i32
    %dma_wait3A_222 = arith.constant 0 : i32
    %dma_wait3A_223 = tpu.memref_slice %dma_wait3A_220[%dma_wait3A_221, %dma_wait3A_222] : memref<1024x32xf32, #tpu.memory_space<vmem>> -> memref<128x32xf32, #tpu.memory_space<vmem>>
    %dma_wait3A_224 = arith.constant 0 : i32
    %dma_wait3A_225 = tpu.memref_slice %arg5[%dma_wait3A_215, %dma_wait3A_224] : memref<104x128xi32, #tpu.memory_space<vmem>> -> memref<1x128xi32, #tpu.memory_space<vmem>>
    %dma_wait3A_226 = tpu.memref_squeeze %dma_wait3A_225 : memref<1x128xi32, #tpu.memory_space<vmem>> -> memref<128xi32, #tpu.memory_space<vmem>>
    %dma_wait3A_227 = arith.constant 0 : i32
    %dma_wait3A_228 = arith.constant 0 : i32
    %dma_wait3A_229 = tpu.memref_slice %arg3[%dma_wait3A_227, %dma_wait3A_228] : memref<1000000x32xf32, #tpu.memory_space<hbm>> -> memref<1000000x32xf32, #tpu.memory_space<hbm>>
    tpu.wait_indirect_dma semaphore(%arg7 : memref<!tpu.dma_semaphore, #tpu.memory_space<semaphore_mem>>) src(%dma_wait3A_229 : memref<1000000x32xf32, #tpu.memory_space<hbm>>) dst(%dma_wait3A_223 : memref<128x32xf32, #tpu.memory_space<vmem>>)
    %dma_wait3A_230 = arith.constant 102 : i32
    %dma_wait3A_231 = arith.constant 0 : i32
    %dma_wait3A_232 = arith.constant 0 : i32
    %dma_wait3A_233 = arith.constant 0 : i32
    %dma_wait3A_234 = tpu.memref_slice %arg6[%dma_wait3A_231, %dma_wait3A_232, %dma_wait3A_233] : memref<2x1024x32xf32, #tpu.memory_space<vmem>> -> memref<1x1024x32xf32, #tpu.memory_space<vmem>>
    %dma_wait3A_235 = tpu.memref_squeeze %dma_wait3A_234 : memref<1x1024x32xf32, #tpu.memory_space<vmem>> -> memref<1024x32xf32, #tpu.memory_space<vmem>>
    %dma_wait3A_236 = arith.constant 768 : i32
    %dma_wait3A_237 = arith.constant 0 : i32
    %dma_wait3A_238 = tpu.memref_slice %dma_wait3A_235[%dma_wait3A_236, %dma_wait3A_237] : memref<1024x32xf32, #tpu.memory_space<vmem>> -> memref<128x32xf32, #tpu.memory_space<vmem>>
    %dma_wait3A_239 = arith.constant 0 : i32
    %dma_wait3A_240 = tpu.memref_slice %arg5[%dma_wait3A_230, %dma_wait3A_239] : memref<104x128xi32, #tpu.memory_space<vmem>> -> memref<1x128xi32, #tpu.memory_space<vmem>>
    %dma_wait3A_241 = tpu.memref_squeeze %dma_wait3A_240 : memref<1x128xi32, #tpu.memory_space<vmem>> -> memref<128xi32, #tpu.memory_space<vmem>>
    %dma_wait3A_242 = arith.constant 0 : i32
    %dma_wait3A_243 = arith.constant 0 : i32
    %dma_wait3A_244 = tpu.memref_slice %arg3[%dma_wait3A_242, %dma_wait3A_243] : memref<1000000x32xf32, #tpu.memory_space<hbm>> -> memref<1000000x32xf32, #tpu.memory_space<hbm>>
    tpu.wait_indirect_dma semaphore(%arg7 : memref<!tpu.dma_semaphore, #tpu.memory_space<semaphore_mem>>) src(%dma_wait3A_244 : memref<1000000x32xf32, #tpu.memory_space<hbm>>) dst(%dma_wait3A_238 : memref<128x32xf32, #tpu.memory_space<vmem>>)
    %dma_wait3A_245 = arith.constant 103 : i32
    %dma_wait3A_246 = arith.constant 0 : i32
    %dma_wait3A_247 = arith.constant 0 : i32
    %dma_wait3A_248 = arith.constant 0 : i32
    %dma_wait3A_249 = tpu.memref_slice %arg6[%dma_wait3A_246, %dma_wait3A_247, %dma_wait3A_248] : memref<2x1024x32xf32, #tpu.memory_space<vmem>> -> memref<1x1024x32xf32, #tpu.memory_space<vmem>>
    %dma_wait3A_250 = tpu.memref_squeeze %dma_wait3A_249 : memref<1x1024x32xf32, #tpu.memory_space<vmem>> -> memref<1024x32xf32, #tpu.memory_space<vmem>>
    %dma_wait3A_251 = arith.constant 896 : i32
    %dma_wait3A_252 = arith.constant 0 : i32
    %dma_wait3A_253 = tpu.memref_slice %dma_wait3A_250[%dma_wait3A_251, %dma_wait3A_252] : memref<1024x32xf32, #tpu.memory_space<vmem>> -> memref<128x32xf32, #tpu.memory_space<vmem>>
    %dma_wait3A_254 = arith.constant 0 : i32
    %dma_wait3A_255 = tpu.memref_slice %arg5[%dma_wait3A_245, %dma_wait3A_254] : memref<104x128xi32, #tpu.memory_space<vmem>> -> memref<1x128xi32, #tpu.memory_space<vmem>>
    %dma_wait3A_256 = tpu.memref_squeeze %dma_wait3A_255 : memref<1x128xi32, #tpu.memory_space<vmem>> -> memref<128xi32, #tpu.memory_space<vmem>>
    %dma_wait3A_257 = arith.constant 0 : i32
    %dma_wait3A_258 = arith.constant 0 : i32
    %dma_wait3A_259 = tpu.memref_slice %arg3[%dma_wait3A_257, %dma_wait3A_258] : memref<1000000x32xf32, #tpu.memory_space<hbm>> -> memref<1000000x32xf32, #tpu.memory_space<hbm>>
    tpu.wait_indirect_dma semaphore(%arg7 : memref<!tpu.dma_semaphore, #tpu.memory_space<semaphore_mem>>) src(%dma_wait3A_259 : memref<1000000x32xf32, #tpu.memory_space<hbm>>) dst(%dma_wait3A_253 : memref<128x32xf32, #tpu.memory_space<vmem>>)
    %add3A_260 = arith.constant 12288 : i32
    %add3A_261 = arith.addi %mul3A_2, %add3A_260 : i32
    %dma_start3A_262 = arith.constant 0 : i32
    %dma_start3A_263 = arith.constant 0 : i32
    %dma_start3A_264 = arith.constant 0 : i32
    %dma_start3A_265 = tpu.memref_slice %arg6[%dma_start3A_262, %dma_start3A_263, %dma_start3A_264] : memref<2x1024x32xf32, #tpu.memory_space<vmem>> -> memref<1x1024x32xf32, #tpu.memory_space<vmem>>
    %dma_start3A_266 = tpu.memref_squeeze %dma_start3A_265 : memref<1x1024x32xf32, #tpu.memory_space<vmem>> -> memref<1024x32xf32, #tpu.memory_space<vmem>>
    %dma_start3A_267 = arith.constant 0 : i32
    %dma_start3A_268 = tpu.memref_slice %arg4[%add3A_261, %dma_start3A_267] : memref<425984x32xf32, #tpu.memory_space<hbm>> -> memref<1024x32xf32, #tpu.memory_space<hbm>>
    %dma_start3A_269 = arith.constant 0 : i32
    %dma_start3A_270 = tpu.memref_slice %arg4[%add3A_261, %dma_start3A_269] : memref<425984x32xf32, #tpu.memory_space<hbm>> -> memref<1024x32xf32, #tpu.memory_space<hbm>>
    %dma_start3A_271 = arith.constant 0 : i32
    %dma_start3A_272 = arith.constant 0 : i32
    %dma_start3A_273 = tpu.memref_slice %arg6[%dma_start3A_262, %dma_start3A_271, %dma_start3A_272] : memref<2x1024x32xf32, #tpu.memory_space<vmem>> -> memref<1x1024x32xf32, #tpu.memory_space<vmem>>
    %dma_start3A_274 = tpu.memref_squeeze %dma_start3A_273 : memref<1x1024x32xf32, #tpu.memory_space<vmem>> -> memref<1024x32xf32, #tpu.memory_space<vmem>>
    tpu.enqueue_dma source(%dma_start3A_274 : memref<1024x32xf32, #tpu.memory_space<vmem>>) target(%dma_start3A_270 : memref<1024x32xf32, #tpu.memory_space<hbm>>) target_semaphore(%arg9 : memref<!tpu.dma_semaphore, #tpu.memory_space<semaphore_mem>>)
    %add3A_275 = arith.constant 12288 : i32
    %add3A_276 = arith.addi %mul3A_2, %add3A_275 : i32
    %dma_wait3A_277 = arith.constant 0 : i32
    %dma_wait3A_278 = arith.constant 0 : i32
    %dma_wait3A_279 = arith.constant 0 : i32
    %dma_wait3A_280 = tpu.memref_slice %arg6[%dma_wait3A_277, %dma_wait3A_278, %dma_wait3A_279] : memref<2x1024x32xf32, #tpu.memory_space<vmem>> -> memref<1x1024x32xf32, #tpu.memory_space<vmem>>
    %dma_wait3A_281 = tpu.memref_squeeze %dma_wait3A_280 : memref<1x1024x32xf32, #tpu.memory_space<vmem>> -> memref<1024x32xf32, #tpu.memory_space<vmem>>
    %dma_wait3A_282 = arith.constant 0 : i32
    %dma_wait3A_283 = tpu.memref_slice %arg4[%add3A_276, %dma_wait3A_282] : memref<425984x32xf32, #tpu.memory_space<hbm>> -> memref<1024x32xf32, #tpu.memory_space<hbm>>
    %dma_wait3A_284 = arith.constant 0 : i32
    %dma_wait3A_285 = tpu.memref_slice %arg4[%add3A_276, %dma_wait3A_284] : memref<425984x32xf32, #tpu.memory_space<hbm>> -> memref<1024x32xf32, #tpu.memory_space<hbm>>
    %dma_wait3A_286 = arith.constant 0 : i32
    %dma_wait3A_287 = arith.constant 0 : i32
    %dma_wait3A_288 = tpu.memref_slice %arg6[%dma_wait3A_277, %dma_wait3A_286, %dma_wait3A_287] : memref<2x1024x32xf32, #tpu.memory_space<vmem>> -> memref<1x1024x32xf32, #tpu.memory_space<vmem>>
    %dma_wait3A_289 = tpu.memref_squeeze %dma_wait3A_288 : memref<1x1024x32xf32, #tpu.memory_space<vmem>> -> memref<1024x32xf32, #tpu.memory_space<vmem>>
    tpu.wait_dma2 semaphore(%arg9 : memref<!tpu.dma_semaphore, #tpu.memory_space<semaphore_mem>>) src(%dma_wait3A_289 : memref<1024x32xf32, #tpu.memory_space<vmem>>) dst(%dma_wait3A_285 : memref<1024x32xf32, #tpu.memory_space<hbm>>)
    return
  }
}

</mosaic_0001>

<sc_bundles>
// kernel: _sc_embedding_lookup.3.cloned.1.call-start
scs
__scs_entry_jumppad:
0x0: {  	(pc) =	sbr.rel $0x88, $3  }
0x1: {  	(tag) =	ssettag $0x0;
	lr =	simm.s32 $0x1  }
0x2: {  	[smem:$0x3F9F] =	sst lr;
	_ =	strace $0xD0000000  }
0x3: {  	_ = 	snop  }
0x4: {  	_ = 	snop  }
0x5: {  	_ = 	snop  }
0x6: {  	_ = 	snop  }
0x7: {  	_ = 	snop  }
__scs_overlays_trampoline_lowered:
0x8: {  	[smem:$0x3FAE] =	sst s0  }
0x9: {  	[smem:$0x3FAF] =	sst s1  }
0xa: {  	[smem:$0x3FB0] =	sst s2  }
0xb: {  	[smem:$0x3FB1] =	sst s3  }
0xc: {  	[smem:$0x3FB2] =	sst s4  }
0xd: {  	[smem:$0x3FB3] =	sst s5  }
0xe: {  	[smem:$0x3FB4] =	sst s6  }
0xf: {  	[smem:$0x3FB5] =	sst s7  }
0x10: {  	[smem:$0x3FB6] =	sst s8  }
0x11: {  	[smem:$0x3FB7] =	sst s9;
	s0 =	simm.s32 @!p0 $0x0  }
0x12: {  	s1 =	sld [smem:$0x3F9D];
	s0 =	simm.s32 @p0 $0x1  }
0x13: {  	[smem:$0x3FB8] =	sst s0;
	s0 =	simm.s32 @!p1 $0x0  }
0x14: {  	s2 =	sld [smem:$0x3F9C];
	s0 =	simm.s32 @p1 $0x1  }
0x15: {  	[smem:$0x3FB9] =	sst s0;
	s0 =	simm.s32 @!p2 $0x0  }
0x16: {  	s3 =	sld [smem:$0x3FDB];
	s0 =	simm.s32 @p2 $0x1  }
0x17: {  	s4 =	simm.s32 $0x1BF5;
	[smem:$0x3FBB] =	sst s0  }
0x18: {  	s0 =	sld [smem:$0x3F9E];
	_ =	swait.ge [sflag:s4], $0x0  }
0x19: {  	s7 =	sld [smem:$0x3F9F]  }
0x1a: {  	s8 =	sadd.s32 $0xFFFFE003, lr  }
0x1b: {  	s9 =	sadd.s32 $0xFFFFFEF7, lr;
	s5 =	simm.s32 $0xFFFFFFFF;
	p2 =	slt.u32 s8, $0xFFFFF086  }
0x1c: {  	p1 =	slt.u32 s9, $0xF7A;
	s5 =	simm.s32 @!p2 $0x0  }
0x1d: {  	s5 =	simm.s32 @p1 $0x1;
	p0 =	seq.s32 s7, s2  }
0x1e: {  	s7 =	smul.u32 @!p0 $0xF7A, s2;
	p2 =	seq.s32 @!p0 s5, $0x0  }
0x1f: {  	s9 =	smul.u32 $0xF7A, s1;
	s8 =	simm.s32 @!p0 $0x1BF5;
	p2 =	por !p2, p0  }
0x20: {  	[sflag:s8] =	ssyncset.s32 @!p0 $0xFFFFF086;
	s6 =	sadd.s32 @!p0 s3, s7;
	s7 =	simm.s32 @!p0 $0x108  }
0x21: {  	s3 =	sadd.s32 s3, s9;
	s6 =	sadd.s32 @!p0 $0x88, s6;
	s7 =	simm.s32 @p2 $0x1082  }
0x22: {  	[simem:s7], [sflag:s8] =	dma.local @!p0 [hbm:s6], $0xF7A  }
0x23: {  	s9 =	sor.u32 $0xD0000000, s2;
	s6 =	simm.s32 $0x108;
	_ =	swait.ge @!p0 [sflag:s8], $0x0  }
0x24: {  	s3 =	sadd.s32 $0x88, s3;
	s6 =	simm.s32 @!p1 $0x1082;
	[sflag:s4] =	ssyncset.s32 $0xFFFFF086  }
0x25: {  	[simem:s6], [sflag:s4] =	dma.local [hbm:s3], $0xF7A  }
0x26: {  	[smem:$0x3F9F] =	sst s1;
	(tag) =	ssettag s2;
	_ =	strace s9  }
0x27: {  	s1 =	sld [smem:$0x3FAF]  }
0x28: {  	s2 =	sld [smem:$0x3FB0]  }
0x29: {  	s4 =	sld [smem:$0x3FB2]  }
0x2a: {  	p0 =	seq.s32 s5, $0x0;
	s5 =	sld [smem:$0x3FB3]  }
0x2b: {  	s6 =	sld [smem:$0x3FB4]  }
0x2c: {  	s7 =	sld [smem:$0x3FB5]  }
0x2d: {  	s3 =	simm.s32 $0x108;
	s8 =	sld [smem:$0x3FB6]  }
0x2e: {  	s3 =	simm.s32 @!p0 $0x1082;
	s9 =	sld [smem:$0x3FB7]  }
0x2f: {  	lr =	sadd.s32 s0, s3;
	s0 =	sld [smem:$0x3FAE]  }
0x30: {  	s3 =	sld [smem:$0x3FB1]  }
0x31: {  	[smem:$0x3FBA] =	sst s10  }
0x32: {  	s10 =	sld [smem:$0x3FB8];
	_ =	sdelay $0x3  }
0x33: {  	p0 =	seq.s32 s10, $0x1;
	s10 =	sld [smem:$0x3FBA];
	_ =	sdelay $0x3  }
0x34: {  	[smem:$0x3FBA] =	sst s10  }
0x35: {  	s10 =	sld [smem:$0x3FB9];
	_ =	sdelay $0x3  }
0x36: {  	p1 =	seq.s32 s10, $0x1;
	s10 =	sld [smem:$0x3FBA];
	_ =	sdelay $0x3  }
0x37: {  	[smem:$0x3FBA] =	sst s10  }
0x38: {  	s10 =	sld [smem:$0x3FBB]  }
0x39: {  	_ = 	snop;
	(pc) =	sbr.ind lr, $3  }
0x3a: {  	_ = 	snop  }
0x3b: {  	_ = 	snop  }
0x3c: {  	p2 =	seq.s32 s10, $0x1;
	s10 =	sld [smem:$0x3FBA]  }
0x3d: {  	_ =	shalt  }
0x3e: {  	_ =	shalt  }
0x3f: {  	_ =	shalt  }
0x40: {  	_ =	shalt  }
0x41: {  	_ =	shalt  }
0x42: {  	_ =	shalt  }
0x43: {  	_ =	shalt  }
0x44: {  	_ =	shalt  }
0x45: {  	_ =	shalt  }
0x46: {  	_ =	shalt  }
0x47: {  	_ =	shalt  }
0x48: {  	_ =	shalt  }
0x49: {  	_ =	shalt  }
0x4a: {  	_ =	shalt  }
0x4b: {  	_ =	shalt  }
0x4c: {  	_ =	shalt  }
0x4d: {  	_ =	shalt  }
0x4e: {  	_ =	shalt  }
0x4f: {  	_ =	shalt  }
0x50: {  	_ =	shalt  }
0x51: {  	_ =	shalt  }
0x52: {  	_ =	shalt  }
0x53: {  	_ =	shalt  }
0x54: {  	_ =	shalt  }
0x55: {  	_ =	shalt  }
0x56: {  	_ =	shalt  }
0x57: {  	_ =	shalt  }
0x58: {  	_ =	shalt  }
0x59: {  	_ =	shalt  }
0x5a: {  	_ =	shalt  }
0x5b: {  	_ =	shalt  }
0x5c: {  	_ =	shalt  }
0x5d: {  	_ =	shalt  }
0x5e: {  	_ =	shalt  }
0x5f: {  	_ =	shalt  }
0x60: {  	_ =	shalt  }
0x61: {  	_ =	shalt  }
0x62: {  	_ =	shalt  }
0x63: {  	_ =	shalt  }
0x64: {  	_ =	shalt  }
0x65: {  	_ =	shalt  }
0x66: {  	_ =	shalt  }
0x67: {  	_ =	shalt  }
0x68: {  	_ =	shalt  }
0x69: {  	_ =	shalt  }
0x6a: {  	_ =	shalt  }
0x6b: {  	_ =	shalt  }
0x6c: {  	_ =	shalt  }
0x6d: {  	_ =	shalt  }
0x6e: {  	_ =	shalt  }
0x6f: {  	_ =	shalt  }
0x70: {  	_ =	shalt  }
0x71: {  	_ =	shalt  }
0x72: {  	_ =	shalt  }
0x73: {  	_ =	shalt  }
0x74: {  	_ =	shalt  }
0x75: {  	_ =	shalt  }
0x76: {  	_ =	shalt  }
0x77: {  	_ =	shalt  }
0x78: {  	_ =	shalt  }
0x79: {  	_ =	shalt  }
0x7a: {  	_ =	shalt  }
0x7b: {  	_ =	shalt  }
0x7c: {  	_ =	shalt  }
0x7d: {  	_ =	shalt  }
0x7e: {  	_ =	shalt  }
0x7f: {  	_ =	shalt  }
0x80: {  	_ =	shalt  }
0x81: {  	_ =	shalt  }
0x82: {  	_ =	shalt  }
0x83: {  	_ =	shalt  }
0x84: {  	_ =	shalt  }
0x85: {  	_ =	shalt  }
0x86: {  	_ =	shalt  }
0x87: {  	_ =	shalt  }
.Lfunc_end0:
.L_simem_size_0:
called_computation.1_lowered:
.L_overlay_start_0:
0x88: {  	s2 =	sld [smem:$0x3FD9]  }
0x89: {  	s3 =	sld [smem:$0x3FFE];
	_ =	sdelay $0x1  }
0x8a: {  	s1 =	srdreg.scid  }
0x8b: {  	s0 =	sand.u32 $0x1, s1  }
0x8c: {  	s17 =	sshll.u32 s0, $0xA;
	s2 =	sadd.s32 s3, s2  }
0x8d: {  	s2 =	sadd.s32 s2, s17  }
0x8e: {  	[smem:$0x3FC6] =	sst s2  }
0x8f: {  	_ = 	snop  }
0x90: {  	s2 =	sld [smem:$0x3FC9]  }
0x91: {  	s18 =	sld [smem:$0x3FD0];
	(tm) =	ssettm $0x1  }
0x92: {  	s4 =	sld [smem:$0x3FFB];
	_ =	sdelay $0x3  }
0x93: {  	_ =	strace s4  }
0x94: {  	s4 =	sld [smem:$0x3FFC];
	_ =	sdelay $0x3  }
0x95: {  	_ =	strace s4  }
0x96: {  	s4 =	sld [smem:$0x3FFD];
	_ =	sdelay $0x3  }
0x97: {  	_ =	strace s4  }
0x98: {  	_ =	strace $0x8FFFFFFF  }
0x99: {  	s19 =	sld [smem:$0x3FDB];
	_ =	sdelay $0x1  }
0x9a: {  	s5 =	simm.s32 $_scs_section_size  }
0x9b: {  	s6 =	simm.s32 $_size__tile_overlayer_lowered;
	s7 =	simm.s32 $_tile_overlayer_lowered  }
0x9c: {  	s22 =	simm.s32 $0x1BFF;
	s21 =	sshll.u32 s7, $0x1;
	s4 =	sadd.s32 s5, s19  }
0x9d: {  	s8 =	simm.s32 $0x0;
	s20 =	sshll.u32 s6, $0x1;
	s6 =	sadd.s32 s21, s4  }
0x9e: {  	[timem:s8], [sflag:s22] =	dma.local [hbm:s6], s20  }
0x9f: {  	_ =	swait.ge [sflag:s22], s20  }
0xa0: {  	s5 =	ssub.s32 $0x0, s20;
	[sflag:s22] =	ssyncset.done $0x0  }
0xa1: {  	[sflag:s22] =	ssyncadd.s32 s5;
	_ =	sdelay $0x1  }
0xa2: {  	s23 =	simm.s32 $0x1B8B  }
0xa3: {  	_ =	swait.ge [sflag:s23], $0x1  }
0xa4: {  	[sflag:s23] =	ssyncset.done $0x0  }
0xa5: {  	s25 =	simm.s32 $0x1B8E;
	s24 =	sld [smem:$0x3FFE];
	[sflag:s23] =	ssyncadd.s32 $0xFFFFFFFF  }
0xa6: {  	s26 =	simm.s32 $execute0_lowered;
	[smem:$0x3FD2] =	sst s25  }
0xa7: {  	s6 =	sshll.u32 s26, $0x1;
	_ =	strace $0x80000046;
	[dreg:$0x1] =	wrdreg $0xFFFFFFFF  }
0xa8: {  	s28 =	simm.s32 $_size_execute0_lowered;
	s4 =	sadd.s32 s4, s6;
	[dreg:$0x0] =	wrdreg $0x0  }
0xa9: {  	s6 =	sshll.u32 s28, $0x1;
	[dreg:$0x2] =	wrdreg s4  }
0xaa: {  	[dreg:$0x3] =	wrdreg s6  }
0xab: {  	[dreg:$0x4] =	wrdreg $0xC0  }
0xac: {  	_ =	task [dreg:s8], $0x5FFFF  }
0xad: {  	[dreg:$0x1] =	wrdreg $0xFFFFFFFF  }
0xae: {  	[dreg:$0x0] =	wrdreg $0x60  }
0xaf: {  	[dreg:$0x2] =	wrdreg s2  }
0xb0: {  	[dreg:$0x3] =	wrdreg s24  }
0xb1: {  	[dreg:$0x4] =	wrdreg s18  }
0xb2: {  	[dreg:$0x5] =	wrdreg $0x9  }
0xb3: {  	_ =	task.clear_ibuf [dreg:s8], $0x6FFFF;
	_ =	strace $0x90000046  }
0xb4: {  	s29 =	simm.s32 $0x9;
	_ =	strace $0x80000048  }
0xb5: {  	_ =	swait.ge [sflag:s29], $0x1  }
0xb6: {  	[sflag:s29] =	ssyncadd.s32 $0xFFFFFFFF  }
0xb7: {  	_ =	strace $0x90000048  }
0xb8: {  	_ =	sfence  }
0xb9: {  	s30 =	sld [smem:$0x0];
	_ =	sdelay $0x2  }
0xba: {  	s31 =	sshll.u32 s1, $0xD;
	s1 =	sshrl.u32 s1, $0x2  }
0xbb: {  	s3 =	sand.u32 $0x4000, s31;
	s1 =	sadd.s32 s1, s30  }
0xbc: {  	s0 =	sor.u32 s3, s0;
	s1 =	sshll.u32 s1, $0x11  }
0xbd: {  	s0 =	sor.u32 s1, s0  }
0xbe: {  	s0 =	sadd.s32 $0x8F2B, s0  }
0xbf: {  	[sflag:s0] =	ssyncadd.remote.s32 $0x1  }
0xc0: {  	_ =	sfence.sel $0xFFFF  }
0xc1: {  	[dreg:$0x0] =	wrdreg $0xFFFFFFFF;
	(pc) =	sbr.abs _section_cstart, $3  }
0xc2: {  	[dreg:$0x1] =	wrdreg $0xFFFFFFFF  }
0xc3: {  	_ =	task.clear_ibuf [dreg:s8], $0x2FFFF;
	_ =	strace $0x9FFFFFFF  }
0xc4: {  	(tm) =	ssettm $0x7FFFFFFF  }
0xc5: {  	_ =	shalt  }
tec
execute0_lowered:
.L_overlay_start_1:
0x0: {  	(tag) =	ssettag $0x1  }
0x1: {  	s0 =	rddreg [dreg:$0x0]  }
0x2: {  	s1 =	rddreg [dreg:$0x1]  }
0x3: {  	s5 =	rddreg [dreg:$0x2];
	s2 =	simm.s32 $0x0;
	s3 =	srdreg.scid  }
0x4: {  	s6 =	stileid.u32;
	s10 =	simm.s32 $0x4400;
	s12 =	simm.s32 $0x5400  }
0x5: {  	s14 =	simm.s32 $0x6400;
	s16 =	simm.s32 $0x7400;
	s17 =	simm.s32 $0x280  }
0x6: {  	s22 =	simm.s32 $0xC400;
	s23 =	simm.s32 $0xD400;
	s24 =	simm.s32 $0xE400  }
0x7: {  	s25 =	simm.s32 $0xF400;
	s26 =	simm.s32 $0x10400;
	[smem:$0x7FF] =	sst s2  }
0x8: {  	s30 =	simm.s32 $0x11400;
	_ =	strace $0x80000047;
	[dreg:$0x6] =	wrdreg s22  }
0x9: {  	s31 =	simm.s32 $0x12400;
	s28 =	simm.s32 $0x4;
	[dreg:$0x7] =	wrdreg s23  }
0xa: {  	s29 =	simm.s32 $0x0;
	s3 =	sand.u32 $0x1, s3;
	[dreg:$0x8] =	wrdreg s24  }
0xb: {  	s4 =	sshll.u32 s6, $0x1;
	s6 =	smul.u32 $0xD0000, s6;
	[dreg:$0x9] =	wrdreg s25  }
0xc: {  	s7 =	ssub.s32 $0x2, s3;
	s4 =	sor.u32 s3, s4;
	[dreg:$0xa] =	wrdreg s26  }
0xd: {  	s8 =	smul.u32 $0x68000, s3;
	s3 =	sadd.s32 $0xF42C00, s1;
	[dreg:$0xb] =	wrdreg s30  }
0xe: {  	s22 =	simm.s32 $0xA400;
	s23 =	simm.s32 $0xB400;
	[dreg:$0xc] =	wrdreg s31  }
0xf: {  	s24 =	simm.s32 $0x1;
	s25 =	simm.s32 $0x3;
	s9 =	smul.u32 $0x680, s4  }
0x10: {  	s26 =	simm.s32 $0x2;
	s18 =	sshrl.u32 s7, $0x1;
	s19 =	smul.u32 $0x68000, s4  }
0x11: {  	s1 =	ssub.s32 s7, s18;
	s6 =	sadd.s32 s8, s6;
	s8 =	simm.s32 $0x80  }
0x12: {  	s18 =	simm.s32 $0x8400;
	s4 =	sadd.s32 s0, s9;
	s20 =	sshrl.u32 s6, $0x3  }
0x13: {  	s6 =	sadd.s32 $0x8000, s6;
	s7 =	sshrl.u32 s19, $0x3;
	s9 =	simm.s32 $0x3400  }
0x14: {  	s19 =	simm.s32 $0x300;
	s0 =	sadd.s32 s20, s5;
	s6 =	sshrl.u32 s6, $0x3  }
0x15: {  	s7 =	sadd.s32 s5, s7;
	s20 =	simm.s32 $0x9400;
	[dreg:$0x4] =	wrdreg s0  }
0x16: {  	s21 =	sadd.s32 s6, s5;
	s5 =	sadd.s32 $0xC000, s7;
	s6 =	smax.u32 s1, $0x1  }
0x17: {  	s7 =	simm.s32 $0x5;
	[dreg:$0x5] =	wrdreg s21;
	s21 =	simm.s32 $0x380  }
.LBB2_1:
0x18: {  	[tilespmem:s2], [sflag:$0x5] =	stream.linear.gather [hbm4b:s4+s2], $0x3400, $0x38;
	[tilespmem:$0x13400] =	vst v63  }
0x19: {  	_ =	swait.ge [sflag:s7], $0x3400  }
0x1a: {  	[sflag:s7] =	ssyncset.done $0x0  }
0x1b: {  	[sflag:s7] =	ssyncadd.s32 $0xFFFFCC00  }
0x1c: {  	[tilespmem:s9], [sflag:$0x1] =	stream.indirect.gather [hbm4b:s3+s8], $0x20, s2, s8, $0xb8;
	[tilespmem:$0x13400] =	vst v63  }
0x1d: {  	_ = 	snop  }
0x1e: {  	[tilespmem:s10], [sflag:$0x1] =	stream.indirect.gather [hbm4b:s3+s8], $0x20, s8, s8, $0xb8;
	[tilespmem:$0x13400] =	vst v63  }
0x1f: {  	s0 =	simm.s32 $0x100  }
0x20: {  	[tilespmem:s12], [sflag:$0x1] =	stream.indirect.gather [hbm4b:s3+s8], $0x20, s0, s8, $0xb8;
	[tilespmem:$0x13400] =	vst v63  }
0x21: {  	s1 =	simm.s32 $0x180  }
0x22: {  	[tilespmem:s14], [sflag:$0x1] =	stream.indirect.gather [hbm4b:s3+s8], $0x20, s1, s8, $0xb8;
	[tilespmem:$0x13400] =	vst v63  }
0x23: {  	s11 =	simm.s32 $0x200  }
0x24: {  	[tilespmem:s16], [sflag:$0x1] =	stream.indirect.gather [hbm4b:s3+s8], $0x20, s11, s8, $0xb8;
	[tilespmem:$0x13400] =	vst v63  }
0x25: {  	_ = 	snop  }
0x26: {  	[tilespmem:s18], [sflag:$0x1] =	stream.indirect.gather [hbm4b:s3+s8], $0x20, s17, s8, $0xb8;
	[tilespmem:$0x13400] =	vst v63  }
0x27: {  	p0 =	por $0x1, $0x1  }
0x28: {  	[tilespmem:s20], [sflag:$0x1] =	stream.indirect.gather [hbm4b:s3+s8], $0x20, s19, s8, $0xb8;
	[tilespmem:$0x13400] =	vst v63  }
0x29: {  	s0 =	simm.s32 @!p0 $0x4  }
0x2a: {  	[tilespmem:s22], [sflag:$0x1] =	stream.indirect.gather [hbm4b:s3+s8], $0x20, s21, s8, $0xb8;
	[tilespmem:$0x13400] =	vst v63  }
0x2b: {  	_ =	swait.ge @!p0 [sflag:s0], $0x8000  }
0x2c: {  	[sflag:s0] =	ssyncset.done @!p0 $0x0  }
0x2d: {  	s13 =	simm.s32 $0x400;
	[sflag:s0] =	ssyncadd.s32 @!p0 $0xFFFF8000  }
0x2e: {  	[tilespmem:s23], [sflag:$0x2] =	stream.indirect.gather [hbm4b:s3+s8], $0x20, s13, s8, $0xb8;
	[tilespmem:$0x13400] =	vst v63  }
0x2f: {  	s15 =	simm.s32 $0x480;
	s1 =	rddreg [dreg:$0x6]  }
0x30: {  	[tilespmem:s1], [sflag:$0x2] =	stream.indirect.gather [hbm4b:s3+s8], $0x20, s15, s8, $0xb8;
	[tilespmem:$0x13400] =	vst v63  }
0x31: {  	s11 =	simm.s32 $0x500;
	s30 =	rddreg [dreg:$0x7]  }
0x32: {  	[tilespmem:s30], [sflag:$0x2] =	stream.indirect.gather [hbm4b:s3+s8], $0x20, s11, s8, $0xb8;
	[tilespmem:$0x13400] =	vst v63  }
0x33: {  	s13 =	rddreg [dreg:$0x8];
	s15 =	simm.s32 $0x580  }
0x34: {  	[tilespmem:s13], [sflag:$0x2] =	stream.indirect.gather [hbm4b:s3+s8], $0x20, s15, s8, $0xb8;
	[tilespmem:$0x13400] =	vst v63  }
0x35: {  	s30 =	rddreg [dreg:$0x9];
	s11 =	simm.s32 $0x600  }
0x36: {  	[tilespmem:s30], [sflag:$0x2] =	stream.indirect.gather [hbm4b:s3+s8], $0x20, s11, s8, $0xb8;
	[tilespmem:$0x13400] =	vst v63  }
0x37: {  	s13 =	rddreg [dreg:$0xa];
	s15 =	simm.s32 $0x680  }
0x38: {  	[tilespmem:s13], [sflag:$0x2] =	stream.indirect.gather [hbm4b:s3+s8], $0x20, s15, s8, $0xb8;
	[tilespmem:$0x13400] =	vst v63  }
0x39: {  	s1 =	simm.s32 $0x700;
	s30 =	rddreg [dreg:$0xb]  }
0x3a: {  	[tilespmem:s30], [sflag:$0x2] =	stream.indirect.gather [hbm4b:s3+s8], $0x20, s1, s8, $0xb8;
	[tilespmem:$0x13400] =	vst v63  }
0x3b: {  	s11 =	rddreg [dreg:$0xc];
	s13 =	simm.s32 $0x780  }
0x3c: {  	[tilespmem:s11], [sflag:$0x2] =	stream.indirect.gather [hbm4b:s3+s8], $0x20, s13, s8, $0xb8;
	[tilespmem:$0x13400] =	vst v63  }
0x3d: {  	_ =	swait.ge [sflag:s24], $0x1000  }
0x3e: {  	[sflag:s24] =	ssyncset.done $0x0  }
0x3f: {  	[sflag:s24] =	ssyncadd.s32 $0xFFFFF000  }
0x40: {  	_ =	swait.ge [sflag:s24], $0x1000  }
0x41: {  	[sflag:s24] =	ssyncset.done $0x0  }
0x42: {  	[sflag:s24] =	ssyncadd.s32 $0xFFFFF000  }
0x43: {  	_ =	swait.ge [sflag:s24], $0x1000  }
0x44: {  	[sflag:s24] =	ssyncset.done $0x0  }
0x45: {  	[sflag:s24] =	ssyncadd.s32 $0xFFFFF000  }
0x46: {  	_ =	swait.ge [sflag:s24], $0x1000  }
0x47: {  	[sflag:s24] =	ssyncset.done $0x0  }
0x48: {  	[sflag:s24] =	ssyncadd.s32 $0xFFFFF000  }
0x49: {  	_ =	swait.ge [sflag:s24], $0x1000  }
0x4a: {  	[sflag:s24] =	ssyncset.done $0x0  }
0x4b: {  	[sflag:s24] =	ssyncadd.s32 $0xFFFFF000  }
0x4c: {  	_ =	swait.ge [sflag:s24], $0x1000  }
0x4d: {  	[sflag:s24] =	ssyncset.done $0x0  }
0x4e: {  	[sflag:s24] =	ssyncadd.s32 $0xFFFFF000  }
0x4f: {  	_ =	swait.ge [sflag:s24], $0x1000  }
0x50: {  	[sflag:s24] =	ssyncset.done $0x0  }
0x51: {  	[sflag:s24] =	ssyncadd.s32 $0xFFFFF000  }
0x52: {  	_ =	swait.ge [sflag:s24], $0x1000  }
0x53: {  	s15 =	rddreg [dreg:$0x4];
	[sflag:s24] =	ssyncset.done $0x0  }
0x54: {  	[sflag:s24] =	ssyncadd.s32 $0xFFFFF000;
	s0 =	sadd.s32 $0x0, s15  }
0x55: {  	[hbm4b:s0+s2] =	stream.linear.scatter [tilespmem:s9], [sflag:$0x3], $0x8000, $0x38;
	[tilespmem:$0x13400] =	vst v63  }
0x56: {  	_ =	swait.ge [sflag:s25], $0x8000  }
0x57: {  	[sflag:s25] =	ssyncset.done $0x0  }
0x58: {  	s1 =	simm.s32 $0x800;
	[sflag:s25] =	ssyncadd.s32 $0xFFFF8000  }
0x59: {  	[tilespmem:s9], [sflag:$0x1] =	stream.indirect.gather [hbm4b:s3+s8], $0x20, s1, s8, $0xb8;
	[tilespmem:$0x13400] =	vst v63  }
0x5a: {  	s11 =	simm.s32 $0x880  }
0x5b: {  	[tilespmem:s10], [sflag:$0x1] =	stream.indirect.gather [hbm4b:s3+s8], $0x20, s11, s8, $0xb8;
	[tilespmem:$0x13400] =	vst v63  }
0x5c: {  	s13 =	simm.s32 $0x900  }
0x5d: {  	[tilespmem:s12], [sflag:$0x1] =	stream.indirect.gather [hbm4b:s3+s8], $0x20, s13, s8, $0xb8;
	[tilespmem:$0x13400] =	vst v63  }
0x5e: {  	s15 =	simm.s32 $0x980  }
0x5f: {  	[tilespmem:s14], [sflag:$0x1] =	stream.indirect.gather [hbm4b:s3+s8], $0x20, s15, s8, $0xb8;
	[tilespmem:$0x13400] =	vst v63  }
0x60: {  	s1 =	simm.s32 $0xA00  }
0x61: {  	[tilespmem:s16], [sflag:$0x1] =	stream.indirect.gather [hbm4b:s3+s8], $0x20, s1, s8, $0xb8;
	[tilespmem:$0x13400] =	vst v63  }
0x62: {  	s11 =	simm.s32 $0xA80  }
0x63: {  	[tilespmem:s18], [sflag:$0x1] =	stream.indirect.gather [hbm4b:s3+s8], $0x20, s11, s8, $0xb8;
	[tilespmem:$0x13400] =	vst v63  }
0x64: {  	s13 =	simm.s32 $0xB00  }
0x65: {  	[tilespmem:s20], [sflag:$0x1] =	stream.indirect.gather [hbm4b:s3+s8], $0x20, s13, s8, $0xb8;
	[tilespmem:$0x13400] =	vst v63  }
0x66: {  	s15 =	simm.s32 $0xB80  }
0x67: {  	[tilespmem:s22], [sflag:$0x1] =	stream.indirect.gather [hbm4b:s3+s8], $0x20, s15, s8, $0xb8;
	[tilespmem:$0x13400] =	vst v63  }
0x68: {  	_ =	swait.ge [sflag:s26], $0x1000  }
0x69: {  	[sflag:s26] =	ssyncset.done $0x0  }
0x6a: {  	[sflag:s26] =	ssyncadd.s32 $0xFFFFF000  }
0x6b: {  	_ =	swait.ge [sflag:s26], $0x1000  }
0x6c: {  	[sflag:s26] =	ssyncset.done $0x0  }
0x6d: {  	[sflag:s26] =	ssyncadd.s32 $0xFFFFF000  }
0x6e: {  	_ =	swait.ge [sflag:s26], $0x1000  }
0x6f: {  	[sflag:s26] =	ssyncset.done $0x0  }
0x70: {  	[sflag:s26] =	ssyncadd.s32 $0xFFFFF000  }
0x71: {  	_ =	swait.ge [sflag:s26], $0x1000  }
0x72: {  	[sflag:s26] =	ssyncset.done $0x0  }
0x73: {  	[sflag:s26] =	ssyncadd.s32 $0xFFFFF000  }
0x74: {  	_ =	swait.ge [sflag:s26], $0x1000  }
0x75: {  	[sflag:s26] =	ssyncset.done $0x0  }
0x76: {  	[sflag:s26] =	ssyncadd.s32 $0xFFFFF000  }
0x77: {  	_ =	swait.ge [sflag:s26], $0x1000  }
0x78: {  	[sflag:s26] =	ssyncset.done $0x0  }
0x79: {  	[sflag:s26] =	ssyncadd.s32 $0xFFFFF000  }
0x7a: {  	_ =	swait.ge [sflag:s26], $0x1000  }
0x7b: {  	[sflag:s26] =	ssyncset.done $0x0  }
0x7c: {  	[sflag:s26] =	ssyncadd.s32 $0xFFFFF000  }
0x7d: {  	s31 =	simm.s32 $0x4000;
	_ =	swait.ge [sflag:s26], $0x1000  }
0x7e: {  	p1 =	por $0x0, $0x0;
	s30 =	simm.s32 $0x2000;
	[sflag:s26] =	ssyncset.done $0x0  }
0x7f: {  	s0 =	simm.s32 $0x0;
	s1 =	rddreg [dreg:$0x5];
	[sflag:s26] =	ssyncadd.s32 $0xFFFFF000  }
.LBB2_2:
0x80: {  	s11 =	simm.s32 @!p1 $0x4;
	s1 =	sadd.s32 s0, s1  }
0x81: {  	[hbm4b:s1+s2] =	stream.linear.scatter [tilespmem:s23], [sflag:$0x4], $0x8000, $0x38;
	[tilespmem:$0x13400] =	vst v63  }
0x82: {  	s0 =	smov.u32 s30;
	_ =	swait.ge @!p1 [sflag:s11], $0x8000  }
0x83: {  	s1 =	sshra.s32 s0, $0x2;
	[sflag:s11] =	ssyncset.done @!p1 $0x0  }
0x84: {  	s15 =	sadd.s32 $0x400, s1;
	[sflag:s11] =	ssyncadd.s32 @!p1 $0xFFFF8000  }
0x85: {  	[tilespmem:s23], [sflag:$0x2] =	stream.indirect.gather [hbm4b:s3+s8], $0x20, s15, s8, $0xb8;
	[tilespmem:$0x13400] =	vst v63  }
0x86: {  	s13 =	rddreg [dreg:$0x6];
	s11 =	sadd.s32 $0x480, s1  }
0x87: {  	[tilespmem:s13], [sflag:$0x2] =	stream.indirect.gather [hbm4b:s3+s8], $0x20, s11, s8, $0xb8;
	[tilespmem:$0x13400] =	vst v63  }
0x88: {  	s15 =	rddreg [dreg:$0x7];
	s11 =	sadd.s32 $0x500, s1  }
0x89: {  	[tilespmem:s15], [sflag:$0x2] =	stream.indirect.gather [hbm4b:s3+s8], $0x20, s11, s8, $0xb8;
	[tilespmem:$0x13400] =	vst v63  }
0x8a: {  	s13 =	rddreg [dreg:$0x8];
	s11 =	sadd.s32 $0x580, s1  }
0x8b: {  	[tilespmem:s13], [sflag:$0x2] =	stream.indirect.gather [hbm4b:s3+s8], $0x20, s11, s8, $0xb8;
	[tilespmem:$0x13400] =	vst v63  }
0x8c: {  	s15 =	rddreg [dreg:$0x9];
	s11 =	sadd.s32 $0x600, s1  }
0x8d: {  	[tilespmem:s15], [sflag:$0x2] =	stream.indirect.gather [hbm4b:s3+s8], $0x20, s11, s8, $0xb8;
	[tilespmem:$0x13400] =	vst v63  }
0x8e: {  	s13 =	rddreg [dreg:$0xa];
	s11 =	sadd.s32 $0x680, s1  }
0x8f: {  	[tilespmem:s13], [sflag:$0x2] =	stream.indirect.gather [hbm4b:s3+s8], $0x20, s11, s8, $0xb8;
	[tilespmem:$0x13400] =	vst v63  }
0x90: {  	s15 =	rddreg [dreg:$0xb];
	s11 =	sadd.s32 $0x700, s1  }
0x91: {  	[tilespmem:s15], [sflag:$0x2] =	stream.indirect.gather [hbm4b:s3+s8], $0x20, s11, s8, $0xb8;
	[tilespmem:$0x13400] =	vst v63  }
0x92: {  	s13 =	rddreg [dreg:$0xc];
	s15 =	sadd.s32 $0x780, s1  }
0x93: {  	[tilespmem:s13], [sflag:$0x2] =	stream.indirect.gather [hbm4b:s3+s8], $0x20, s15, s8, $0xb8;
	[tilespmem:$0x13400] =	vst v63  }
0x94: {  	_ =	swait.ge [sflag:s24], $0x1000  }
0x95: {  	[sflag:s24] =	ssyncset.done $0x0  }
0x96: {  	[sflag:s24] =	ssyncadd.s32 $0xFFFFF000  }
0x97: {  	_ =	swait.ge [sflag:s24], $0x1000  }
0x98: {  	[sflag:s24] =	ssyncset.done $0x0  }
0x99: {  	[sflag:s24] =	ssyncadd.s32 $0xFFFFF000  }
0x9a: {  	_ =	swait.ge [sflag:s24], $0x1000  }
0x9b: {  	[sflag:s24] =	ssyncset.done $0x0  }
0x9c: {  	[sflag:s24] =	ssyncadd.s32 $0xFFFFF000  }
0x9d: {  	_ =	swait.ge [sflag:s24], $0x1000  }
0x9e: {  	[sflag:s24] =	ssyncset.done $0x0  }
0x9f: {  	[sflag:s24] =	ssyncadd.s32 $0xFFFFF000  }
0xa0: {  	_ =	swait.ge [sflag:s24], $0x1000  }
0xa1: {  	[sflag:s24] =	ssyncset.done $0x0  }
0xa2: {  	[sflag:s24] =	ssyncadd.s32 $0xFFFFF000  }
0xa3: {  	_ =	swait.ge [sflag:s24], $0x1000  }
0xa4: {  	[sflag:s24] =	ssyncset.done $0x0  }
0xa5: {  	[sflag:s24] =	ssyncadd.s32 $0xFFFFF000  }
0xa6: {  	_ =	swait.ge [sflag:s24], $0x1000  }
0xa7: {  	[sflag:s24] =	ssyncset.done $0x0  }
0xa8: {  	[sflag:s24] =	ssyncadd.s32 $0xFFFFF000  }
0xa9: {  	_ =	swait.ge [sflag:s24], $0x1000  }
0xaa: {  	s13 =	rddreg [dreg:$0x4];
	[sflag:s24] =	ssyncset.done $0x0  }
0xab: {  	[sflag:s24] =	ssyncadd.s32 $0xFFFFF000;
	s11 =	sadd.s32 s0, s13  }
0xac: {  	[hbm4b:s11+s2] =	stream.linear.scatter [tilespmem:s9], [sflag:$0x3], $0x8000, $0x38;
	[tilespmem:$0x13400] =	vst v63  }
0xad: {  	_ =	swait.ge [sflag:s25], $0x8000  }
0xae: {  	[sflag:s25] =	ssyncset.done $0x0  }
0xaf: {  	s15 =	sadd.s32 $0x800, s1;
	[sflag:s25] =	ssyncadd.s32 $0xFFFF8000  }
0xb0: {  	[tilespmem:s9], [sflag:$0x1] =	stream.indirect.gather [hbm4b:s3+s8], $0x20, s15, s8, $0xb8;
	[tilespmem:$0x13400] =	vst v63  }
0xb1: {  	s13 =	sadd.s32 $0x880, s1  }
0xb2: {  	[tilespmem:s10], [sflag:$0x1] =	stream.indirect.gather [hbm4b:s3+s8], $0x20, s13, s8, $0xb8;
	[tilespmem:$0x13400] =	vst v63  }
0xb3: {  	s15 =	sadd.s32 $0x900, s1  }
0xb4: {  	[tilespmem:s12], [sflag:$0x1] =	stream.indirect.gather [hbm4b:s3+s8], $0x20, s15, s8, $0xb8;
	[tilespmem:$0x13400] =	vst v63  }
0xb5: {  	s13 =	sadd.s32 $0x980, s1  }
0xb6: {  	[tilespmem:s14], [sflag:$0x1] =	stream.indirect.gather [hbm4b:s3+s8], $0x20, s13, s8, $0xb8;
	[tilespmem:$0x13400] =	vst v63  }
0xb7: {  	s15 =	sadd.s32 $0xA00, s1  }
0xb8: {  	[tilespmem:s16], [sflag:$0x1] =	stream.indirect.gather [hbm4b:s3+s8], $0x20, s15, s8, $0xb8;
	[tilespmem:$0x13400] =	vst v63  }
0xb9: {  	s13 =	sadd.s32 $0xA80, s1  }
0xba: {  	[tilespmem:s18], [sflag:$0x1] =	stream.indirect.gather [hbm4b:s3+s8], $0x20, s13, s8, $0xb8;
	[tilespmem:$0x13400] =	vst v63  }
0xbb: {  	s15 =	sadd.s32 $0xB00, s1  }
0xbc: {  	[tilespmem:s20], [sflag:$0x1] =	stream.indirect.gather [hbm4b:s3+s8], $0x20, s15, s8, $0xb8;
	[tilespmem:$0x13400] =	vst v63  }
0xbd: {  	s1 =	sadd.s32 $0xB80, s1  }
0xbe: {  	[tilespmem:s22], [sflag:$0x1] =	stream.indirect.gather [hbm4b:s3+s8], $0x20, s1, s8, $0xb8;
	[tilespmem:$0x13400] =	vst v63  }
0xbf: {  	_ =	swait.ge [sflag:s26], $0x1000  }
0xc0: {  	[sflag:s26] =	ssyncset.done $0x0  }
0xc1: {  	[sflag:s26] =	ssyncadd.s32 $0xFFFFF000  }
0xc2: {  	_ =	swait.ge [sflag:s26], $0x1000  }
0xc3: {  	[sflag:s26] =	ssyncset.done $0x0  }
0xc4: {  	[sflag:s26] =	ssyncadd.s32 $0xFFFFF000  }
0xc5: {  	_ =	swait.ge [sflag:s26], $0x1000  }
0xc6: {  	[sflag:s26] =	ssyncset.done $0x0  }
0xc7: {  	[sflag:s26] =	ssyncadd.s32 $0xFFFFF000  }
0xc8: {  	_ =	swait.ge [sflag:s26], $0x1000  }
0xc9: {  	[sflag:s26] =	ssyncset.done $0x0  }
0xca: {  	[sflag:s26] =	ssyncadd.s32 $0xFFFFF000  }
0xcb: {  	_ =	swait.ge [sflag:s26], $0x1000  }
0xcc: {  	[sflag:s26] =	ssyncset.done $0x0  }
0xcd: {  	[sflag:s26] =	ssyncadd.s32 $0xFFFFF000  }
0xce: {  	_ =	swait.ge [sflag:s26], $0x1000  }
0xcf: {  	[sflag:s26] =	ssyncset.done $0x0  }
0xd0: {  	s30 =	smov.u32 s31;
	s31 =	sadd.s32 $0x2000, s31;
	[sflag:s26] =	ssyncadd.s32 $0xFFFFF000  }
0xd1: {  	p0 =	sne.s32 s31, $0xC000;
	_ =	swait.ge [sflag:s26], $0x1000  }
.Ltmp0:
0xd2: {  	[sflag:s26] =	ssyncset.done $0x0;
	(pc) =	sbr.rel @p0 .LBB2_2-.Ltmp0, $4  }
0xd3: {  	[sflag:s26] =	ssyncadd.s32 $0xFFFFF000  }
0xd4: {  	_ =	swait.ge [sflag:s26], $0x1000  }
0xd5: {  	[sflag:s26] =	ssyncset.done $0x0  }
0xd6: {  	p1 =	seq.s32 s30, $0x0;
	s1 =	rddreg [dreg:$0x5];
	[sflag:s26] =	ssyncadd.s32 $0xFFFFF000  }
0xd7: {  	s11 =	simm.s32 @!p1 $0x4;
	s0 =	sadd.s32 s0, s1  }
0xd8: {  	[hbm4b:s0+s2] =	stream.linear.scatter [tilespmem:s23], [sflag:$0x4], $0x8000, $0x38;
	[tilespmem:$0x13400] =	vst v63  }
0xd9: {  	_ =	swait.ge @!p1 [sflag:s11], $0x8000  }
0xda: {  	s0 =	sshra.s32 s30, $0x2;
	[sflag:s11] =	ssyncset.done @!p1 $0x0  }
0xdb: {  	s15 =	sadd.s32 $0x400, s0;
	[sflag:s11] =	ssyncadd.s32 @!p1 $0xFFFF8000  }
0xdc: {  	[tilespmem:s23], [sflag:$0x2] =	stream.indirect.gather [hbm4b:s3+s8], $0x20, s15, s8, $0xb8;
	[tilespmem:$0x13400] =	vst v63  }
0xdd: {  	s31 =	rddreg [dreg:$0x6];
	s15 =	sadd.s32 $0x480, s0  }
0xde: {  	[tilespmem:s31], [sflag:$0x2] =	stream.indirect.gather [hbm4b:s3+s8], $0x20, s15, s8, $0xb8;
	[tilespmem:$0x13400] =	vst v63  }
0xdf: {  	s13 =	rddreg [dreg:$0x7];
	s31 =	sadd.s32 $0x500, s0  }
0xe0: {  	[tilespmem:s13], [sflag:$0x2] =	stream.indirect.gather [hbm4b:s3+s8], $0x20, s31, s8, $0xb8;
	[tilespmem:$0x13400] =	vst v63  }
0xe1: {  	s11 =	rddreg [dreg:$0x8];
	s15 =	sadd.s32 $0x580, s0  }
0xe2: {  	[tilespmem:s11], [sflag:$0x2] =	stream.indirect.gather [hbm4b:s3+s8], $0x20, s15, s8, $0xb8;
	[tilespmem:$0x13400] =	vst v63  }
0xe3: {  	s31 =	rddreg [dreg:$0x9];
	s11 =	sadd.s32 $0x600, s0  }
0xe4: {  	[tilespmem:s31], [sflag:$0x2] =	stream.indirect.gather [hbm4b:s3+s8], $0x20, s11, s8, $0xb8;
	[tilespmem:$0x13400] =	vst v63  }
0xe5: {  	s15 =	rddreg [dreg:$0xa];
	s31 =	sadd.s32 $0x680, s0  }
0xe6: {  	[tilespmem:s15], [sflag:$0x2] =	stream.indirect.gather [hbm4b:s3+s8], $0x20, s31, s8, $0xb8;
	[tilespmem:$0x13400] =	vst v63  }
0xe7: {  	s13 =	rddreg [dreg:$0xb];
	s15 =	sadd.s32 $0x700, s0  }
0xe8: {  	[tilespmem:s13], [sflag:$0x2] =	stream.indirect.gather [hbm4b:s3+s8], $0x20, s15, s8, $0xb8;
	[tilespmem:$0x13400] =	vst v63  }
0xe9: {  	s31 =	rddreg [dreg:$0xc];
	s15 =	sadd.s32 $0x780, s0  }
0xea: {  	[tilespmem:s31], [sflag:$0x2] =	stream.indirect.gather [hbm4b:s3+s8], $0x20, s15, s8, $0xb8;
	[tilespmem:$0x13400] =	vst v63  }
0xeb: {  	_ =	swait.ge [sflag:s24], $0x1000  }
0xec: {  	[sflag:s24] =	ssyncset.done $0x0  }
0xed: {  	[sflag:s24] =	ssyncadd.s32 $0xFFFFF000  }
0xee: {  	_ =	swait.ge [sflag:s24], $0x1000  }
0xef: {  	[sflag:s24] =	ssyncset.done $0x0  }
0xf0: {  	[sflag:s24] =	ssyncadd.s32 $0xFFFFF000  }
0xf1: {  	_ =	swait.ge [sflag:s24], $0x1000  }
0xf2: {  	[sflag:s24] =	ssyncset.done $0x0  }
0xf3: {  	[sflag:s24] =	ssyncadd.s32 $0xFFFFF000  }
0xf4: {  	_ =	swait.ge [sflag:s24], $0x1000  }
0xf5: {  	[sflag:s24] =	ssyncset.done $0x0  }
0xf6: {  	[sflag:s24] =	ssyncadd.s32 $0xFFFFF000  }
0xf7: {  	_ =	swait.ge [sflag:s24], $0x1000  }
0xf8: {  	[sflag:s24] =	ssyncset.done $0x0  }
0xf9: {  	[sflag:s24] =	ssyncadd.s32 $0xFFFFF000  }
0xfa: {  	_ =	swait.ge [sflag:s24], $0x1000  }
0xfb: {  	[sflag:s24] =	ssyncset.done $0x0  }
0xfc: {  	[sflag:s24] =	ssyncadd.s32 $0xFFFFF000  }
0xfd: {  	_ =	swait.ge [sflag:s24], $0x1000  }
0xfe: {  	[sflag:s24] =	ssyncset.done $0x0  }
0xff: {  	[sflag:s24] =	ssyncadd.s32 $0xFFFFF000  }
0x100: {  	_ =	swait.ge [sflag:s24], $0x1000  }
0x101: {  	s31 =	rddreg [dreg:$0x4];
	[sflag:s24] =	ssyncset.done $0x0  }
0x102: {  	[sflag:s24] =	ssyncadd.s32 $0xFFFFF000;
	s1 =	sadd.s32 s30, s31  }
0x103: {  	[hbm4b:s1+s2] =	stream.linear.scatter [tilespmem:s9], [sflag:$0x3], $0x8000, $0x38;
	[tilespmem:$0x13400] =	vst v63  }
0x104: {  	_ =	swait.ge [sflag:s25], $0x8000  }
0x105: {  	[sflag:s25] =	ssyncset.done $0x0  }
0x106: {  	s11 =	sadd.s32 $0x800, s0;
	[sflag:s25] =	ssyncadd.s32 $0xFFFF8000  }
0x107: {  	[tilespmem:s9], [sflag:$0x1] =	stream.indirect.gather [hbm4b:s3+s8], $0x20, s11, s8, $0xb8;
	[tilespmem:$0x13400] =	vst v63  }
0x108: {  	s13 =	sadd.s32 $0x880, s0  }
0x109: {  	[tilespmem:s10], [sflag:$0x1] =	stream.indirect.gather [hbm4b:s3+s8], $0x20, s13, s8, $0xb8;
	[tilespmem:$0x13400] =	vst v63  }
0x10a: {  	s15 =	sadd.s32 $0x900, s0  }
0x10b: {  	[tilespmem:s12], [sflag:$0x1] =	stream.indirect.gather [hbm4b:s3+s8], $0x20, s15, s8, $0xb8;
	[tilespmem:$0x13400] =	vst v63  }
0x10c: {  	s31 =	sadd.s32 $0x980, s0  }
0x10d: {  	[tilespmem:s14], [sflag:$0x1] =	stream.indirect.gather [hbm4b:s3+s8], $0x20, s31, s8, $0xb8;
	[tilespmem:$0x13400] =	vst v63  }
0x10e: {  	s11 =	sadd.s32 $0xA00, s0  }
0x10f: {  	[tilespmem:s16], [sflag:$0x1] =	stream.indirect.gather [hbm4b:s3+s8], $0x20, s11, s8, $0xb8;
	[tilespmem:$0x13400] =	vst v63  }
0x110: {  	s13 =	sadd.s32 $0xA80, s0  }
0x111: {  	[tilespmem:s18], [sflag:$0x1] =	stream.indirect.gather [hbm4b:s3+s8], $0x20, s13, s8, $0xb8;
	[tilespmem:$0x13400] =	vst v63  }
0x112: {  	s15 =	sadd.s32 $0xB00, s0  }
0x113: {  	[tilespmem:s20], [sflag:$0x1] =	stream.indirect.gather [hbm4b:s3+s8], $0x20, s15, s8, $0xb8;
	[tilespmem:$0x13400] =	vst v63  }
0x114: {  	s0 =	sadd.s32 $0xB80, s0  }
0x115: {  	[tilespmem:s22], [sflag:$0x1] =	stream.indirect.gather [hbm4b:s3+s8], $0x20, s0, s8, $0xb8;
	[tilespmem:$0x13400] =	vst v63  }
0x116: {  	_ =	swait.ge [sflag:s26], $0x1000  }
0x117: {  	[sflag:s26] =	ssyncset.done $0x0  }
0x118: {  	[sflag:s26] =	ssyncadd.s32 $0xFFFFF000  }
0x119: {  	_ =	swait.ge [sflag:s26], $0x1000  }
0x11a: {  	[sflag:s26] =	ssyncset.done $0x0  }
0x11b: {  	[sflag:s26] =	ssyncadd.s32 $0xFFFFF000  }
0x11c: {  	_ =	swait.ge [sflag:s26], $0x1000  }
0x11d: {  	[sflag:s26] =	ssyncset.done $0x0  }
0x11e: {  	[sflag:s26] =	ssyncadd.s32 $0xFFFFF000  }
0x11f: {  	_ =	swait.ge [sflag:s26], $0x1000  }
0x120: {  	[sflag:s26] =	ssyncset.done $0x0  }
0x121: {  	[sflag:s26] =	ssyncadd.s32 $0xFFFFF000  }
0x122: {  	_ =	swait.ge [sflag:s26], $0x1000  }
0x123: {  	[sflag:s26] =	ssyncset.done $0x0  }
0x124: {  	[sflag:s26] =	ssyncadd.s32 $0xFFFFF000  }
0x125: {  	_ =	swait.ge [sflag:s26], $0x1000  }
0x126: {  	[sflag:s26] =	ssyncset.done $0x0  }
0x127: {  	[sflag:s26] =	ssyncadd.s32 $0xFFFFF000  }
0x128: {  	_ =	swait.ge [sflag:s26], $0x1000  }
0x129: {  	[sflag:s26] =	ssyncset.done $0x0  }
0x12a: {  	[sflag:s26] =	ssyncadd.s32 $0xFFFFF000  }
0x12b: {  	_ =	swait.ge [sflag:s26], $0x1000  }
0x12c: {  	s31 =	rddreg [dreg:$0x5];
	[sflag:s26] =	ssyncset.done $0x0  }
0x12d: {  	[sflag:s26] =	ssyncadd.s32 $0xFFFFF000;
	s0 =	sadd.s32 s30, s31  }
0x12e: {  	[hbm4b:s0+s2] =	stream.linear.scatter [tilespmem:s23], [sflag:$0x4], $0x8000, $0x38;
	[tilespmem:$0x13400] =	vst v63  }
0x12f: {  	_ =	swait.ge [sflag:s28], $0x8000  }
0x130: {  	[sflag:s28] =	ssyncset.done $0x0  }
0x131: {  	[sflag:s28] =	ssyncadd.s32 $0xFFFF8000  }
0x132: {  	_ =	swait.ge [sflag:s24], $0x1000  }
0x133: {  	[sflag:s24] =	ssyncset.done $0x0  }
0x134: {  	[sflag:s24] =	ssyncadd.s32 $0xFFFFF000  }
0x135: {  	_ =	swait.ge [sflag:s24], $0x1000  }
0x136: {  	[sflag:s24] =	ssyncset.done $0x0  }
0x137: {  	[sflag:s24] =	ssyncadd.s32 $0xFFFFF000  }
0x138: {  	_ =	swait.ge [sflag:s24], $0x1000  }
0x139: {  	[sflag:s24] =	ssyncset.done $0x0  }
0x13a: {  	[sflag:s24] =	ssyncadd.s32 $0xFFFFF000  }
0x13b: {  	_ =	swait.ge [sflag:s24], $0x1000  }
0x13c: {  	[sflag:s24] =	ssyncset.done $0x0  }
0x13d: {  	[sflag:s24] =	ssyncadd.s32 $0xFFFFF000  }
0x13e: {  	_ =	swait.ge [sflag:s24], $0x1000  }
0x13f: {  	[sflag:s24] =	ssyncset.done $0x0  }
0x140: {  	[sflag:s24] =	ssyncadd.s32 $0xFFFFF000  }
0x141: {  	_ =	swait.ge [sflag:s24], $0x1000  }
0x142: {  	[sflag:s24] =	ssyncset.done $0x0  }
0x143: {  	[sflag:s24] =	ssyncadd.s32 $0xFFFFF000  }
0x144: {  	_ =	swait.ge [sflag:s24], $0x1000  }
0x145: {  	[sflag:s24] =	ssyncset.done $0x0  }
0x146: {  	[sflag:s24] =	ssyncadd.s32 $0xFFFFF000  }
0x147: {  	s29 =	sadd.s32 $0x1, s29;
	_ =	swait.ge [sflag:s24], $0x1000  }
0x148: {  	p0 =	sne.s32 s29, s6;
	[sflag:s24] =	ssyncset.done $0x0  }
.Ltmp1:
0x149: {  	[sflag:s24] =	ssyncadd.s32 $0xFFFFF000;
	(pc) =	sbr.rel @p0 .LBB2_1-.Ltmp1, $4  }
0x14a: {  	[hbm4b:s5+s2] =	stream.linear.scatter [tilespmem:s9], [sflag:$0x3], $0x8000, $0x38;
	[tilespmem:$0x13400] =	vst v63  }
0x14b: {  	_ =	swait.ge [sflag:s25], $0x8000  }
0x14c: {  	[sflag:s25] =	ssyncset.done $0x0  }
0x14d: {  	[sflag:s25] =	ssyncadd.s32 $0xFFFF8000  }
0x14e: {  	_ =	sfence.sel $0x180000  }
0x14f: {  	[bflag:$0x0] =	sbarrier.arrive $0xFFFF  }
0x150: {  	_ =	strace $0x90000047  }
0x151: {  	s0 =	stileid.u32;
	[bflag:$0x2] =	sbarrier.arrive $0xFFFF  }
0x152: {  	p0 =	sne.s32 s0, $0x0;
	s0 =	rddreg [dreg:$0x3]  }
0x153: {  	s0 =	sadd.s32 @!p0 $0x100000, s0  }
0x154: {  	[sflag:s0] =	ssyncadd.tile.s32 @!p0 $0x1;
	_ =	shalt  }
.Lfunc_end2:
_tile_overlayer_lowered:
.L_overlay_start_2:
0x155: {  	(tag) =	ssettag $0x2  }
0x156: {  	s0 =	rddreg [dreg:$0x0];
	s2 =	stileid.u32  }
0x157: {  	s1 =	rddreg [dreg:$0x1];
	p0 =	sne.s32 s2, $0x0  }
0x158: {  	s3 =	rddreg [dreg:$0x2];
	[bflag:$0x3] =	sbarrier.arrive $0xFFFF;
	s2 =	simm.s32 @!p0 $0x1C05  }
0x159: {  	[timem:s3], [sflag:s2] =	dma.local @!p0 [hbm:s0], s1  }
0x15a: {  	s0 =	simm.s32 @!p0 $0x5  }
0x15b: {  	_ =	swait.ge @!p0 [sflag:s0], s1  }
0x15c: {  	s1 =	ssub.s32 @!p0 $0x0, s1;
	[sflag:s0] =	ssyncset.done @!p0 $0x0  }
0x15d: {  	[sflag:s0] =	ssyncadd.s32 @!p0 s1  }
0x15e: {  	[bflag:$0x3] =	sbarrier.arrive $0xFFFF  }
0x15f: {  	_ =	shalt  }

// kernel: sparse-core-data-format-call.cloned.1.call-start
scs
called_computation_lowered:
.L_overlay_start_0:
0x0: {  	s2 =	sld [smem:$0x3FD9]  }
0x1: {  	s3 =	sld [smem:$0x3FFE];
	_ =	sdelay $0x1  }
0x2: {  	s1 =	srdreg.scid  }
0x3: {  	s0 =	sand.u32 $0x1, s1  }
0x4: {  	s18 =	sshll.u32 s0, $0xA;
	s2 =	sadd.s32 s3, s2  }
0x5: {  	s2 =	sadd.s32 s2, s18  }
0x6: {  	[smem:$0x3FC6] =	sst s2  }
0x7: {  	_ = 	snop  }
0x8: {  	s2 =	sld [smem:$0x3FD0];
	(tm) =	ssettm $0x1  }
0x9: {  	s19 =	sld [smem:$0x3FFB];
	_ =	sdelay $0x3  }
0xa: {  	_ =	strace s19  }
0xb: {  	s3 =	sld [smem:$0x3FFC];
	_ =	sdelay $0x3  }
0xc: {  	_ =	strace s3  }
0xd: {  	s3 =	sld [smem:$0x3FFD];
	_ =	sdelay $0x3  }
0xe: {  	_ =	strace s3  }
0xf: {  	_ =	strace $0x8FFFFFFF  }
0x10: {  	s20 =	sld [smem:$0x3FDB];
	_ =	sdelay $0x1  }
0x11: {  	s4 =	simm.s32 $_scs_section_size  }
0x12: {  	s5 =	simm.s32 $_size__tile_overlayer_lowered;
	s6 =	simm.s32 $_tile_overlayer_lowered  }
0x13: {  	s23 =	simm.s32 $0x1BFF;
	s22 =	sshll.u32 s6, $0x1;
	s3 =	sadd.s32 s4, s20  }
0x14: {  	s7 =	simm.s32 $0x0;
	s21 =	sshll.u32 s5, $0x1;
	s5 =	sadd.s32 s22, s3  }
0x15: {  	[timem:s7], [sflag:s23] =	dma.local [hbm:s5], s21  }
0x16: {  	_ =	swait.ge [sflag:s23], s21  }
0x17: {  	s4 =	ssub.s32 $0x0, s21;
	[sflag:s23] =	ssyncset.done $0x0  }
0x18: {  	[sflag:s23] =	ssyncadd.s32 s4;
	_ =	sdelay $0x1  }
0x19: {  	s24 =	simm.s32 $0x1B8B  }
0x1a: {  	_ =	swait.ge [sflag:s24], $0x1  }
0x1b: {  	[sflag:s24] =	ssyncset.done $0x0  }
0x1c: {  	s26 =	simm.s32 $0x1B8E;
	s25 =	sld [smem:$0x3FFE];
	[sflag:s24] =	ssyncadd.s32 $0xFFFFFFFF  }
0x1d: {  	s27 =	simm.s32 $execute0_lowered;
	[smem:$0x3FD2] =	sst s26  }
0x1e: {  	s5 =	sshll.u32 s27, $0x1;
	_ =	strace $0x80000049;
	[dreg:$0x1] =	wrdreg $0xFFFFFFFF  }
0x1f: {  	s28 =	simm.s32 $_size_execute0_lowered;
	s3 =	sadd.s32 s3, s5;
	[dreg:$0x0] =	wrdreg $0x0  }
0x20: {  	s5 =	sshll.u32 s28, $0x1;
	[dreg:$0x2] =	wrdreg s3  }
0x21: {  	[dreg:$0x3] =	wrdreg s5  }
0x22: {  	[dreg:$0x4] =	wrdreg $0xC0  }
0x23: {  	_ =	task [dreg:s7], $0x5FFFF  }
0x24: {  	[dreg:$0x1] =	wrdreg $0xFFFFFFFF  }
0x25: {  	[dreg:$0x0] =	wrdreg $0x60  }
0x26: {  	[dreg:$0x2] =	wrdreg s25  }
0x27: {  	[dreg:$0x3] =	wrdreg s2  }
0x28: {  	[dreg:$0x4] =	wrdreg $0x9  }
0x29: {  	_ =	task.clear_ibuf [dreg:s7], $0x5FFFF;
	_ =	strace $0x90000049  }
0x2a: {  	s29 =	simm.s32 $0x9;
	_ =	strace $0x8000004B  }
0x2b: {  	_ =	swait.ge [sflag:s29], $0x1  }
0x2c: {  	[sflag:s29] =	ssyncadd.s32 $0xFFFFFFFF  }
0x2d: {  	_ =	strace $0x9000004B  }
0x2e: {  	_ =	sfence  }
0x2f: {  	s30 =	sld [smem:$0x0];
	_ =	sdelay $0x2  }
0x30: {  	s31 =	sshll.u32 s1, $0xD;
	s1 =	sshrl.u32 s1, $0x2  }
0x31: {  	s3 =	sand.u32 $0x4000, s31;
	s1 =	sadd.s32 s1, s30  }
0x32: {  	s0 =	sor.u32 s3, s0;
	s1 =	sshll.u32 s1, $0x11  }
0x33: {  	s0 =	sor.u32 s1, s0  }
0x34: {  	s0 =	sadd.s32 $0x8F2B, s0  }
0x35: {  	[sflag:s0] =	ssyncadd.remote.s32 $0x1  }
0x36: {  	_ =	sfence.sel $0xFFFF  }
0x37: {  	[dreg:$0x0] =	wrdreg $0xFFFFFFFF;
	(pc) =	sbr.abs _section_cstart, $3  }
0x38: {  	[dreg:$0x1] =	wrdreg $0xFFFFFFFF  }
0x39: {  	_ =	task.clear_ibuf [dreg:s7], $0x2FFFF;
	_ =	strace $0x9FFFFFFF  }
0x3a: {  	(tm) =	ssettm $0x7FFFFFFF  }
0x3b: {  	_ =	shalt  }
tec
execute0_lowered:
.L_overlay_start_1:
0x0: {  	(tag) =	ssettag $0x1  }
0x1: {  	s0 =	srdreg.scid  }
0x2: {  	s1 =	sshll.u32 s0, $0x4  }
0x3: {  	s4 =	rddreg [dreg:$0x0];
	s0 =	stileid.u32;
	s1 =	sand.u32 $0x10, s1  }
0x4: {  	s2 =	rddreg [dreg:$0x1];
	s7 =	simm.s32 $0x1;
	s1 =	sor.u32 s0, s1  }
0x5: {  	s8 =	simm.s32 $0x2;
	s11 =	simm.s32 $0x0;
	s3 =	sshll.u32 s1, $0x7  }
0x6: {  	s10 =	simm.s32 $0x0;
	s4 =	sadd.s32 $0x800, s4;
	s6 =	ssub.s32 $0x68000, s3  }
.Ltmp0:
0x7: {  	s1 =	rddreg [dreg:$0x2];
	s5 =	sand.u32 $0xF80, s6;
	(pc) =	sbr.rel .LBB1_1-.Ltmp0, $4  }
0x8: {  	_ =	strace $0x8000004A;
	s9 =	smov.u32 s3;
	p0 =	sne.s32 s5, $0x0  }
0x9: {  	s6 =	sshrl.u32 s6, $0xC;
	s5 =	simm.s32 $0x1;
	s7 =	simm.s32 @!p0 $0x0  }
0xa: {  	[sflag:s5] =	ssyncpa.u1 $0x0;
	p0 =	por $0x0, $0x0;
	s6 =	sadd.s32 s7, s6  }
0xb: {  	[sflag:s8] =	ssyncpa.u1 $0x0;
	s8 =	simm.s32 $0x340000;
	s7 =	sadd.s32 $0x1, s6  }
.LBB1_4:
0xc: {  	s14 =	sshll.u32 s11, $0x3  }
0xd: {  	s30 =	sand.u32 $0x7F, s11;
	s15 =	sand.u32 $0xFFFFFC00, s14  }
0xe: {  	s11 =	sor.u32 s30, s15  }
0xf: {  	s15 =	smulhi.u32 $0x4EC4EC4F, s11  }
0x10: {  	s14 =	smulhi.u32 $0x4EC4EC4F, s14  }
0x11: {  	s15 =	sshrl.u32 s15, $0x11  }
0x12: {  	s14 =	sshrl.u32 s14, $0x11;
	s15 =	smul.u32 $0x68000, s15  }
0x13: {  	s14 =	sand.u32 $0x1F, s14  }
0x14: {  	s14 =	smul.u32 $0xD000, s14;
	s11 =	ssub.s32 s11, s15  }
0x15: {  	s15 =	sand.u32 $0x7, s11  }
0x16: {  	s14 =	sadd.s32 s2, s14;
	s11 =	sshrl.u32 s11, $0x3;
	s15 =	sshll.u32 s15, $0x12  }
0x17: {  	[tilespmem:s13+$0x0 ss:$0x81] =	vst.msk $0xffff, v0;
	s11 =	sadd.s32 s11, s14;
	s31 =	sor.u32 $0x400, s15  }
0x18: {  	[hbm4b:s11+s31] =	stream.strided.scatter [tilespmem:s12], [sflag:$0x2], $0x1000, s8, s31, $0x20;
	[tilespmem:$0x4040] =	vst v63  }
.LBB1_5:
0x19: {  	s13 =	sadd.s32 $0x1000, s9  }
0x1a: {  	p2 =	sgt.s32 s13, $0x67FFF  }
0x1b: {  	s13 =	smov.u32 @p2 s3;
	p2 =	sne.s32 s10, s7  }
.Ltmp1:
0x1c: {  	p1 =	slt.u32 s10, $0x2;
	(pc) =	sbr.rel @!p2 .LBB1_6-.Ltmp1, $4  }
0x1d: {  	s12 =	simm.s32 @!p1 $0x2  }
0x1e: {  	s14 =	sadd.s32 $0x1, s10;
	_ =	swait.ge @!p1 [sflag:s12], $0x1000  }
0x1f: {  	s11 =	smov.u32 s9;
	p0 =	por !p0, !p0;
	[sflag:s12] =	ssyncset.done @!p1 $0x0  }
0x20: {  	s10 =	smov.u32 s14;
	s9 =	smov.u32 s13;
	[sflag:s12] =	ssyncadd.s32 @!p1 $0xFFFFF000  }
.LBB1_1:
0x21: {  	p1 =	sge.u32 s10, s6  }
0x22: {  	s12 =	sand.u32 @!p1 $0x1FFFFFF, s9  }
0x23: {  	s13 =	smulhi.u32 @!p1 $0x2762763, s12;
	_ =	sdelay $0x1  }
0x24: {  	s13 =	sshrl.u32 @!p1 s13, $0xC  }
0x25: {  	s13 =	smul.u32 @!p1 $0x68000, s13;
	_ =	sdelay $0x1  }
0x26: {  	s31 =	sadd.s32 $0xFFFFFFFF, s10;
	s14 =	sxor.u32 @!p1 $0xFFFFFFFF, s10;
	s12 =	ssub.s32 @!p1 s12, s13  }
0x27: {  	s15 =	simm.s32 @!p1 $0x80;
	s14 =	sshll.u32 @!p1 s14, $0xC;
	s12 =	sshll.u32 @!p1 s12, $0x4  }
0x28: {  	s13 =	sand.u32 @!p1 $0x1000, s14;
	s14 =	simm.s32 @!p1 $0x20;
	s12 =	sadd.s32 @!p1 s4, s12  }
0x29: {  	[tilespmem:s13], [sflag:$0x1] =	stream.strided.gather @!p1 [hbm4b:s12+s14], $0x1000, s15, s14, $0x38;
	[tilespmem:$0x4040] =	vst v63  }
0x2a: {  	p1 =	sge.u32 s31, s6  }
.Ltmp2:
0x2b: {  	_ = 	snop;
	(pc) =	sbr.rel @p1 .LBB1_5-.Ltmp2, $1  }
0x2c: {  	_ =	sdelay $0x3  }
0x2d: {  	s12 =	simm.s32 $0x1  }
0x2e: {  	_ =	swait.ge [sflag:s5], $0x1000;
	s12 =	simm.s32 @!p0 $0x0  }
0x2f: {  	[sflag:s5] =	ssyncset.done $0x0;
	s13 =	sshll.u32 s12, $0xC  }
0x30: {  	[sflag:s5] =	ssyncadd.s32 $0xFFFFF000;
	s16 =	sor.u32 $0x10, s13  }
0x31: {  	s12 =	smul.u32 $0x4080, s12;
	v1 =	vld [tilespmem:s16+$0x0]  }
0x32: {  	s30 =	sand.u32 $0x1, s10;
	v0 =	vld [tilespmem:s16+$0xFFFFFFF0]  }
0x33: {  	s13 =	smul.u32 $0x4080, s30;
	s12 =	sshrl.u32 s12, $0x2  }
0x34: {  	s14 =	sor.u32 $0x2000, s12  }
0x35: {  	s31 =	sshrl.u32 s13, $0x2;
	s13 =	sadd.s32 $0x0, s14  }
0x36: {  	s15 =	simm.s32 $0x4;
	s16 =	sadd.s32 $0x20, s16;
	s12 =	sor.u32 $0x2000, s31;
	[tilespmem:s13+$0x810 ss:$0x81] =	vst.msk $0xffff, v1  }
.LBB1_3:
0x37: {  	v1 =	vld [tilespmem:s16+$0x0];
	p1 =	sne.s32 s15, $0x1FC;
	[tilespmem:s13+$0x0 ss:$0x81] =	vst.msk $0xffff, v0;
	s13 =	smov.u32 s15;
	s15 =	sadd.s32 $0x4, s15  }
.Ltmp3:
0x38: {  	v0 =	vld [tilespmem:s16+$0xFFFFFFF0];
	(pc) =	sbr.rel @p1 .LBB1_3-.Ltmp3, $4  }
0x39: {  	_ = 	snop  }
0x3a: {  	s13 =	sshra.s32 s13, $0x2  }
0x3b: {  	s13 =	sadd.s32 s13, s14  }
0x3c: {  	s16 =	sadd.s32 $0x20, s16;
	[tilespmem:s13+$0x810 ss:$0x81] =	vst.msk $0xffff, v1  }
.Ltmp4:
0x3d: {  	_ = 	snop;
	(pc) =	sbr.rel .LBB1_4-.Ltmp4, $1  }
0x3e: {  	_ =	sdelay $0x3  }
.LBB1_6:
0x3f: {  	_ =	sfence.sel $0x180000  }
0x40: {  	s2 =	simm.s32 $0x1;
	[bflag:$0x0] =	sbarrier.arrive $0xFFFF  }
0x41: {  	s31 =	simm.s32 $0x2;
	[sflag:s2] =	ssyncpa.u1 $0x1  }
0x42: {  	[sflag:s31] =	ssyncpa.u1 $0x1  }
0x43: {  	p0 =	sne.s32 s0, $0x0;
	_ =	strace $0x9000004A  }
0x44: {  	s0 =	sadd.s32 @!p0 $0x100000, s1;
	[bflag:$0x2] =	sbarrier.arrive $0xFFFF  }
0x45: {  	[sflag:s0] =	ssyncadd.tile.s32 @!p0 $0x1;
	_ =	shalt  }
.Lfunc_end1:
_tile_overlayer_lowered:
.L_overlay_start_2:
0x46: {  	(tag) =	ssettag $0x2  }
0x47: {  	s0 =	rddreg [dreg:$0x0];
	s2 =	stileid.u32  }
0x48: {  	s1 =	rddreg [dreg:$0x1];
	p0 =	sne.s32 s2, $0x0  }
0x49: {  	s3 =	rddreg [dreg:$0x2];
	[bflag:$0x3] =	sbarrier.arrive $0xFFFF;
	s2 =	simm.s32 @!p0 $0x1C01  }
0x4a: {  	[timem:s3], [sflag:s2] =	dma.local @!p0 [hbm:s0], s1  }
0x4b: {  	s0 =	simm.s32 @!p0 $0x1  }
0x4c: {  	_ =	swait.ge @!p0 [sflag:s0], s1  }
0x4d: {  	s1 =	ssub.s32 @!p0 $0x0, s1;
	[sflag:s0] =	ssyncset.done @!p0 $0x0  }
0x4e: {  	[sflag:s0] =	ssyncadd.s32 @!p0 s1  }
0x4f: {  	[bflag:$0x3] =	sbarrier.arrive $0xFFFF  }
0x50: {  	_ =	shalt  }

</sc_bundles>
